<compile_context>
chip_gen: v7x
topology: tpu7x:2x2x1
jax: 0.10.2.dev20260603
libtpu: 0.0.44.dev20260713+nightly
codegen_flags: <defaults>
</compile_context>

<pallas_src>
import functools
import math

import jax
import jax.numpy as jnp
from jax import lax
from jax.experimental import pallas as pl
from jax.experimental.pallas import tpu as pltpu
from jax.experimental.pallas import tpu_sc as plsc

S = 2048
H = 32
NB2 = 16
MAX_EXACT = 8
TBL = 2 * S - 1
TBL_PAD = 4112
L = 16
BR = 8
NBLK = S // BR
NBUF = 4

_mesh = plsc.VectorSubcoreMesh(core_axis_name="c", subcore_axis_name="s")


@functools.partial(
    pl.kernel,
    mesh=_mesh,
    compiler_params=pltpu.CompilerParams(
        needs_layout_passes=False,
        use_tc_tiling_on_sc=True,
    ),
    out_type=jax.ShapeDtypeStruct((1, H, S, S), jnp.float32),
    scratch_types=[
        pltpu.VMEM((H * H,), jnp.float32),
        pltpu.VMEM((TBL_PAD,), jnp.int32),
        pltpu.VMEM((TBL_PAD,), jnp.float32),
        pltpu.VMEM((NBUF, BR, S), jnp.float32),
        pltpu.SemaphoreType.DMA,
    ],
)
def _bias_sc(weight_hbm, bucket_hbm, out_hbm, w_v, b_v, vh_v, stage_v, sem):
    h = lax.axis_index("s") * 2 + lax.axis_index("c")

    pltpu.sync_copy(weight_hbm, w_v)
    pltpu.sync_copy(bucket_hbm, b_v)

    hvec = jnp.full((L,), h, dtype=jnp.int32)

    def gather_chunk(k):
        idx = b_v[pl.ds(k, L)] * H + hvec
        vh_v[pl.ds(k, L)] = plsc.load_gather(w_v, [idx])

    plsc.parallel_loop(0, TBL_PAD, L, unroll=8)(gather_chunk)

    def wait_one_block():
        pltpu.make_async_copy(
            stage_v.at[0], out_hbm.at[0, h, pl.ds(0, BR), :], sem
        ).wait()

    def block_body(b, carry):
        @pl.when(b >= NBUF)
        def _():
            wait_one_block()

        buf = b & (NBUF - 1)
        s0 = (S - 1) - b * BR
        for r in range(BR):
            def fill_chunk(c, r=r, buf=buf, sr=s0 - r):
                stage_v[buf, r, pl.ds(c, L)] = vh_v[pl.ds(sr + c, L)]

            plsc.parallel_loop(0, S, L, unroll=8)(fill_chunk)

        row0 = pl.multiple_of(b * BR, BR)
        pltpu.async_copy(
            stage_v.at[buf], out_hbm.at[0, h, pl.ds(row0, BR), :], sem
        )
        return carry

    lax.fori_loop(0, NBLK, block_body, 0)
    for _ in range(NBUF):
        wait_one_block()


def kernel(weight, seq_length):
    del seq_length
    d = jnp.arange(-(S - 1), S, dtype=jnp.int32)
    rel_buckets = (d > 0).astype(jnp.int32) * NB2
    ad = jnp.abs(d)
    is_small = ad < MAX_EXACT
    rp_safe = jnp.maximum(ad, 1)
    large = MAX_EXACT + (
        jnp.log(rp_safe.astype(jnp.float32) / MAX_EXACT)
        / math.log(128 / MAX_EXACT)
        * (NB2 - MAX_EXACT)
    ).astype(jnp.int32)
    large = jnp.minimum(large, NB2 - 1)
    buckets = rel_buckets + jnp.where(is_small, ad, large)
    buckets = jnp.pad(buckets, (0, TBL_PAD - TBL))
    return _bias_sc(weight.reshape(-1), buckets)

# --- scband reference (transcript-rebuilt; emitter-appended) ---
"""Pipeline reference for scband-relative-position-embeddings-33809982554142 (READ-ONLY COPY).

The authoritative reference and input builder live on the scoring server;
editing this copy changes nothing except your own understanding.
"""

import jax, jax.numpy as jnp
import numpy as np
import math

NUM_BUCKETS = 32
MAX_DISTANCE = 128
SEQ_LENGTH = 2048


def _relative_position_bucket(relative_position, num_buckets, max_distance):
    num_buckets = num_buckets // 2
    relative_buckets = (relative_position > 0).astype(jnp.int32) * num_buckets
    relative_position = jnp.abs(relative_position)
    max_exact = num_buckets // 2
    is_small = relative_position < max_exact
    rp_safe = jnp.maximum(relative_position, 1)
    relative_position_if_large = max_exact + (
        jnp.log(rp_safe.astype(jnp.float32) / max_exact)
        / math.log(max_distance / max_exact)
        * (num_buckets - max_exact)
    ).astype(jnp.int32)
    relative_position_if_large = jnp.minimum(relative_position_if_large, num_buckets - 1)
    relative_buckets = relative_buckets + jnp.where(is_small, relative_position, relative_position_if_large)
    return relative_buckets


def setup_inputs(seed: int = 0):
    key = jax.random.key(seed)
    # learned relative attention bias table: [num_buckets, num_heads]
    weight = jax.random.normal(key, (32, 32), dtype=jnp.float32) * 0.02
    return {"weight": weight, "seq_length": 2048}


def reference(weight, seq_length):
    # compute relative position buckets [S, S] (int constants)
    positions = jnp.arange(SEQ_LENGTH) + (seq_length - SEQ_LENGTH)
    context_position = positions[:, None]
    memory_position = positions[None, :]
    relative_position = memory_position - context_position
    buckets = _relative_position_bucket(relative_position, NUM_BUCKETS, MAX_DISTANCE)
    # embedding lookup into bias table -> [S, S, H]
    r = jnp.take(weight, buckets, axis=0)
    # permute (2, 0, 1) and unsqueeze -> [1, H, S, S]
    bias = jnp.transpose(r, (2, 0, 1))[None, ...]
    return bias

if __name__ == "__main__":
    import jax
    _d = setup_inputs()
    print(jax.jit(kernel)(*tuple(_d.values())))

</pallas_src>

<mosaic_0001>
#map = affine_map<(d0, d1) -> (0)>
#map1 = affine_map<(d0, d1) -> (0, 0, 0, 0)>
module attributes {stable_mosaic.version = 14 : i64} {
  func.func @_bias_sc(%arg0: i32, %arg1: i32, %arg2: memref<1024xf32, #tpu.memory_space<hbm>>, %arg3: memref<4112xi32, #tpu.memory_space<hbm>>, %arg4: memref<1x32x2048x2048xf32, #tpu.memory_space<hbm>>, %arg5: memref<1024xf32, #tpu.memory_space<vmem>>, %arg6: memref<4112xi32, #tpu.memory_space<vmem>>, %arg7: memref<4112xf32, #tpu.memory_space<vmem>>, %arg8: memref<4x8x2048xf32, #tpu.memory_space<vmem>>, %arg9: memref<!tpu.dma_semaphore, #tpu.memory_space<semaphore_mem>>) attributes {dimension_semantics = [#tpu.dimension_semantics<core_parallel>, #tpu.dimension_semantics<subcore_parallel>], iteration_bounds = array<i64: 2, 16>, scalar_prefetch = 0 : i64, scratch_operands = 5 : i64, tpu.core_type = #tpu.core_type<sc_vector_subcore>, window_params = [{transform_indices = #map}, {transform_indices = #map}, {transform_indices = #map1}]} {
    %mul3A = arith.constant 2 : i32
    %mul3A_0 = arith.muli %arg1, %mul3A : i32
    %add3A = arith.addi %mul3A_0, %arg0 : i32
    "tpu.region"() ({
      %run_scoped3A = tpu.sem_alloc : memref<!tpu.dma_semaphore, #tpu.memory_space<semaphore_mem>>
      tpu.enqueue_dma source(%arg2 : memref<1024xf32, #tpu.memory_space<hbm>>) target(%arg5 : memref<1024xf32, #tpu.memory_space<vmem>>) target_semaphore(%run_scoped3A : memref<!tpu.dma_semaphore, #tpu.memory_space<semaphore_mem>>)
      tpu.wait_dma2 semaphore(%run_scoped3A : memref<!tpu.dma_semaphore, #tpu.memory_space<semaphore_mem>>) src(%arg2 : memref<1024xf32, #tpu.memory_space<hbm>>) dst(%arg5 : memref<1024xf32, #tpu.memory_space<vmem>>)
      tpu.yield
    }) : () -> ()
    "tpu.region"() ({
      %run_scoped3A = tpu.sem_alloc : memref<!tpu.dma_semaphore, #tpu.memory_space<semaphore_mem>>
      tpu.enqueue_dma source(%arg3 : memref<4112xi32, #tpu.memory_space<hbm>>) target(%arg6 : memref<4112xi32, #tpu.memory_space<vmem>>) target_semaphore(%run_scoped3A : memref<!tpu.dma_semaphore, #tpu.memory_space<semaphore_mem>>)
      tpu.wait_dma2 semaphore(%run_scoped3A : memref<!tpu.dma_semaphore, #tpu.memory_space<semaphore_mem>>) src(%arg3 : memref<4112xi32, #tpu.memory_space<hbm>>) dst(%arg6 : memref<4112xi32, #tpu.memory_space<vmem>>)
      tpu.yield
    }) : () -> ()
    %broadcast_in_dim3A = vector.broadcast %add3A : i32 to vector<16xi32>
    %parallel_loop3A = arith.constant 0 : i32
    %parallel_loop3A_1 = arith.constant 4112 : i32
    %parallel_loop3A_2 = arith.constant 16 : i32
    scf.for %parallel_loop3A_79 = %parallel_loop3A to %parallel_loop3A_1 step %parallel_loop3A_2  : i32 {
      %parallel_loop3A_80 = arith.index_cast %parallel_loop3A_79 : i32 to index
      %parallel_loop3A_81 = tpu.vector_load %arg6[%parallel_loop3A_80] {strides = array<i32>} : memref<4112xi32, #tpu.memory_space<vmem>>, vector<16xi32>,
      %parallel_loop3A_82 = arith.constant 32 : i32
      %parallel_loop3A_83 = vector.broadcast %parallel_loop3A_82 : i32 to vector<16xi32>
      %parallel_loop3A_84 = arith.muli %parallel_loop3A_81, %parallel_loop3A_83 : vector<16xi32>
      %parallel_loop3A_85 = arith.addi %parallel_loop3A_84, %broadcast_in_dim3A : vector<16xi32>
      %parallel_loop3A_86 = tpu.vector_load_idx %arg5[%parallel_loop3A_85] : memref<1024xf32, #tpu.memory_space<vmem>>[vector<16xi32>], vector<16xf32>,
      %parallel_loop3A_87 = arith.index_cast %parallel_loop3A_79 : i32 to index
      %parallel_loop3A_88 = tpu.vector_load %arg7[%parallel_loop3A_87] {strides = array<i32>} : memref<4112xf32, #tpu.memory_space<vmem>>, vector<16xf32>,
      tpu.vector_store %arg7[%parallel_loop3A_87], %parallel_loop3A_86 {strides = array<i32>} : memref<4112xf32, #tpu.memory_space<vmem>>, vector<16xf32>,
    } {sc.loop_unroll_factor = 8 : i64, sc.parallel_access}
    %scan3A = arith.constant 0 : i32
    %scan3A_3 = arith.constant 0 : i32
    %scan3A_4 = arith.constant 256 : i32
    %scan3A_5 = arith.addi %scan3A_3, %scan3A_4 : i32
    %scan3A_6 = arith.constant 1 : i32
    scf.for %scan3A_79 = %scan3A_3 to %scan3A_5 step %scan3A_6  : i32 {
      %ge3A = arith.constant 4 : i32
      %ge3A_80 = arith.cmpi sge, %scan3A_79, %ge3A : i32
      %convert_element_type3A = arith.extui %ge3A_80 : i1 to i32
      %cond3A = arith.constant 0 : i32
      %cond3A_81 = arith.cmpi ne, %convert_element_type3A, %cond3A : i32
      scf.if %cond3A_81 {
        %dma_wait3A_142 = arith.constant 0 : i32
        %dma_wait3A_143 = arith.constant 0 : i32
        %dma_wait3A_144 = arith.constant 0 : i32
        %dma_wait3A_145 = arith.constant 0 : i32
        %dma_wait3A_146 = tpu.memref_slice %arg8[%dma_wait3A_142, %dma_wait3A_144, %dma_wait3A_145] : memref<4x8x2048xf32, #tpu.memory_space<vmem>> -> memref<1x8x2048xf32, #tpu.memory_space<vmem>>
        %dma_wait3A_147 = tpu.memref_squeeze %dma_wait3A_146 : memref<1x8x2048xf32, #tpu.memory_space<vmem>> -> memref<8x2048xf32, #tpu.memory_space<vmem>>
        %dma_wait3A_148 = arith.constant 0 : i32
        %dma_wait3A_149 = arith.constant 0 : i32
        %dma_wait3A_150 = tpu.memref_slice %arg4[%dma_wait3A_143, %add3A, %dma_wait3A_148, %dma_wait3A_149] : memref<1x32x2048x2048xf32, #tpu.memory_space<hbm>> -> memref<1x1x8x2048xf32, #tpu.memory_space<hbm>>
        %dma_wait3A_151 = tpu.memref_squeeze %dma_wait3A_150 : memref<1x1x8x2048xf32, #tpu.memory_space<hbm>> -> memref<8x2048xf32, #tpu.memory_space<hbm>>
        %dma_wait3A_152 = arith.constant 0 : i32
        %dma_wait3A_153 = arith.constant 0 : i32
        %dma_wait3A_154 = tpu.memref_slice %arg4[%dma_wait3A_143, %add3A, %dma_wait3A_152, %dma_wait3A_153] : memref<1x32x2048x2048xf32, #tpu.memory_space<hbm>> -> memref<1x1x8x2048xf32, #tpu.memory_space<hbm>>
        %dma_wait3A_155 = tpu.memref_squeeze %dma_wait3A_154 : memref<1x1x8x2048xf32, #tpu.memory_space<hbm>> -> memref<8x2048xf32, #tpu.memory_space<hbm>>
        %dma_wait3A_156 = arith.constant 0 : i32
        %dma_wait3A_157 = arith.constant 0 : i32
        %dma_wait3A_158 = tpu.memref_slice %arg8[%dma_wait3A_142, %dma_wait3A_156, %dma_wait3A_157] : memref<4x8x2048xf32, #tpu.memory_space<vmem>> -> memref<1x8x2048xf32, #tpu.memory_space<vmem>>
        %dma_wait3A_159 = tpu.memref_squeeze %dma_wait3A_158 : memref<1x8x2048xf32, #tpu.memory_space<vmem>> -> memref<8x2048xf32, #tpu.memory_space<vmem>>
        tpu.wait_dma2 semaphore(%arg9 : memref<!tpu.dma_semaphore, #tpu.memory_space<semaphore_mem>>) src(%dma_wait3A_159 : memref<8x2048xf32, #tpu.memory_space<vmem>>) dst(%dma_wait3A_155 : memref<8x2048xf32, #tpu.memory_space<hbm>>)
      } else {
      }
      %and3A = arith.constant 3 : i32
      %and3A_82 = arith.andi %scan3A_79, %and3A : i32
      %mul3A_83 = arith.constant 8 : i32
      %mul3A_84 = arith.muli %scan3A_79, %mul3A_83 : i32
      %sub3A = arith.constant 2047 : i32
      %sub3A_85 = arith.subi %sub3A, %mul3A_84 : i32
      %sub3A_86 = arith.constant 0 : i32
      %sub3A_87 = arith.subi %sub3A_85, %sub3A_86 : i32
      %parallel_loop3A_88 = arith.constant 0 : i32
      %parallel_loop3A_89 = arith.constant 2048 : i32
      %parallel_loop3A_90 = arith.constant 16 : i32
      scf.for %parallel_loop3A_142 = %parallel_loop3A_88 to %parallel_loop3A_89 step %parallel_loop3A_90  : i32 {
        %parallel_loop3A_143 = arith.addi %sub3A_87, %parallel_loop3A_142 : i32
        %parallel_loop3A_144 = arith.index_cast %parallel_loop3A_143 : i32 to index
        %parallel_loop3A_145 = tpu.vector_load %arg7[%parallel_loop3A_144] {strides = array<i32>} : memref<4112xf32, #tpu.memory_space<vmem>>, vector<16xf32>,
        %parallel_loop3A_146 = arith.constant 0 : i32
        %parallel_loop3A_147 = arith.index_cast %and3A_82 : i32 to index
        %parallel_loop3A_148 = arith.index_cast %parallel_loop3A_146 : i32 to index
        %parallel_loop3A_149 = arith.index_cast %parallel_loop3A_142 : i32 to index
        %parallel_loop3A_150 = tpu.vector_load %arg8[%parallel_loop3A_147, %parallel_loop3A_148, %parallel_loop3A_149] {strides = array<i32>} : memref<4x8x2048xf32, #tpu.memory_space<vmem>>, vector<16xf32>,
        tpu.vector_store %arg8[%parallel_loop3A_147, %parallel_loop3A_148, %parallel_loop3A_149], %parallel_loop3A_145 {strides = array<i32>} : memref<4x8x2048xf32, #tpu.memory_space<vmem>>, vector<16xf32>,
      } {sc.loop_unroll_factor = 8 : i64, sc.parallel_access}
      %sub3A_91 = arith.constant 1 : i32
      %sub3A_92 = arith.subi %sub3A_85, %sub3A_91 : i32
      %parallel_loop3A_93 = arith.constant 0 : i32
      %parallel_loop3A_94 = arith.constant 2048 : i32
      %parallel_loop3A_95 = arith.constant 16 : i32
      scf.for %parallel_loop3A_142 = %parallel_loop3A_93 to %parallel_loop3A_94 step %parallel_loop3A_95  : i32 {
        %parallel_loop3A_143 = arith.addi %sub3A_92, %parallel_loop3A_142 : i32
        %parallel_loop3A_144 = arith.index_cast %parallel_loop3A_143 : i32 to index
        %parallel_loop3A_145 = tpu.vector_load %arg7[%parallel_loop3A_144] {strides = array<i32>} : memref<4112xf32, #tpu.memory_space<vmem>>, vector<16xf32>,
        %parallel_loop3A_146 = arith.constant 1 : i32
        %parallel_loop3A_147 = arith.index_cast %and3A_82 : i32 to index
        %parallel_loop3A_148 = arith.index_cast %parallel_loop3A_146 : i32 to index
        %parallel_loop3A_149 = arith.index_cast %parallel_loop3A_142 : i32 to index
        %parallel_loop3A_150 = tpu.vector_load %arg8[%parallel_loop3A_147, %parallel_loop3A_148, %parallel_loop3A_149] {strides = array<i32>} : memref<4x8x2048xf32, #tpu.memory_space<vmem>>, vector<16xf32>,
        tpu.vector_store %arg8[%parallel_loop3A_147, %parallel_loop3A_148, %parallel_loop3A_149], %parallel_loop3A_145 {strides = array<i32>} : memref<4x8x2048xf32, #tpu.memory_space<vmem>>, vector<16xf32>,
      } {sc.loop_unroll_factor = 8 : i64, sc.parallel_access}
      %sub3A_96 = arith.constant 2 : i32
      %sub3A_97 = arith.subi %sub3A_85, %sub3A_96 : i32
      %parallel_loop3A_98 = arith.constant 0 : i32
      %parallel_loop3A_99 = arith.constant 2048 : i32
      %parallel_loop3A_100 = arith.constant 16 : i32
      scf.for %parallel_loop3A_142 = %parallel_loop3A_98 to %parallel_loop3A_99 step %parallel_loop3A_100  : i32 {
        %parallel_loop3A_143 = arith.addi %sub3A_97, %parallel_loop3A_142 : i32
        %parallel_loop3A_144 = arith.index_cast %parallel_loop3A_143 : i32 to index
        %parallel_loop3A_145 = tpu.vector_load %arg7[%parallel_loop3A_144] {strides = array<i32>} : memref<4112xf32, #tpu.memory_space<vmem>>, vector<16xf32>,
        %parallel_loop3A_146 = arith.constant 2 : i32
        %parallel_loop3A_147 = arith.index_cast %and3A_82 : i32 to index
        %parallel_loop3A_148 = arith.index_cast %parallel_loop3A_146 : i32 to index
        %parallel_loop3A_149 = arith.index_cast %parallel_loop3A_142 : i32 to index
        %parallel_loop3A_150 = tpu.vector_load %arg8[%parallel_loop3A_147, %parallel_loop3A_148, %parallel_loop3A_149] {strides = array<i32>} : memref<4x8x2048xf32, #tpu.memory_space<vmem>>, vector<16xf32>,
        tpu.vector_store %arg8[%parallel_loop3A_147, %parallel_loop3A_148, %parallel_loop3A_149], %parallel_loop3A_145 {strides = array<i32>} : memref<4x8x2048xf32, #tpu.memory_space<vmem>>, vector<16xf32>,
      } {sc.loop_unroll_factor = 8 : i64, sc.parallel_access}
      %sub3A_101 = arith.constant 3 : i32
      %sub3A_102 = arith.subi %sub3A_85, %sub3A_101 : i32
      %parallel_loop3A_103 = arith.constant 0 : i32
      %parallel_loop3A_104 = arith.constant 2048 : i32
      %parallel_loop3A_105 = arith.constant 16 : i32
      scf.for %parallel_loop3A_142 = %parallel_loop3A_103 to %parallel_loop3A_104 step %parallel_loop3A_105  : i32 {
        %parallel_loop3A_143 = arith.addi %sub3A_102, %parallel_loop3A_142 : i32
        %parallel_loop3A_144 = arith.index_cast %parallel_loop3A_143 : i32 to index
        %parallel_loop3A_145 = tpu.vector_load %arg7[%parallel_loop3A_144] {strides = array<i32>} : memref<4112xf32, #tpu.memory_space<vmem>>, vector<16xf32>,
        %parallel_loop3A_146 = arith.constant 3 : i32
        %parallel_loop3A_147 = arith.index_cast %and3A_82 : i32 to index
        %parallel_loop3A_148 = arith.index_cast %parallel_loop3A_146 : i32 to index
        %parallel_loop3A_149 = arith.index_cast %parallel_loop3A_142 : i32 to index
        %parallel_loop3A_150 = tpu.vector_load %arg8[%parallel_loop3A_147, %parallel_loop3A_148, %parallel_loop3A_149] {strides = array<i32>} : memref<4x8x2048xf32, #tpu.memory_space<vmem>>, vector<16xf32>,
        tpu.vector_store %arg8[%parallel_loop3A_147, %parallel_loop3A_148, %parallel_loop3A_149], %parallel_loop3A_145 {strides = array<i32>} : memref<4x8x2048xf32, #tpu.memory_space<vmem>>, vector<16xf32>,
      } {sc.loop_unroll_factor = 8 : i64, sc.parallel_access}
      %sub3A_106 = arith.constant 4 : i32
      %sub3A_107 = arith.subi %sub3A_85, %sub3A_106 : i32
      %parallel_loop3A_108 = arith.constant 0 : i32
      %parallel_loop3A_109 = arith.constant 2048 : i32
      %parallel_loop3A_110 = arith.constant 16 : i32
      scf.for %parallel_loop3A_142 = %parallel_loop3A_108 to %parallel_loop3A_109 step %parallel_loop3A_110  : i32 {
        %parallel_loop3A_143 = arith.addi %sub3A_107, %parallel_loop3A_142 : i32
        %parallel_loop3A_144 = arith.index_cast %parallel_loop3A_143 : i32 to index
        %parallel_loop3A_145 = tpu.vector_load %arg7[%parallel_loop3A_144] {strides = array<i32>} : memref<4112xf32, #tpu.memory_space<vmem>>, vector<16xf32>,
        %parallel_loop3A_146 = arith.constant 4 : i32
        %parallel_loop3A_147 = arith.index_cast %and3A_82 : i32 to index
        %parallel_loop3A_148 = arith.index_cast %parallel_loop3A_146 : i32 to index
        %parallel_loop3A_149 = arith.index_cast %parallel_loop3A_142 : i32 to index
        %parallel_loop3A_150 = tpu.vector_load %arg8[%parallel_loop3A_147, %parallel_loop3A_148, %parallel_loop3A_149] {strides = array<i32>} : memref<4x8x2048xf32, #tpu.memory_space<vmem>>, vector<16xf32>,
        tpu.vector_store %arg8[%parallel_loop3A_147, %parallel_loop3A_148, %parallel_loop3A_149], %parallel_loop3A_145 {strides = array<i32>} : memref<4x8x2048xf32, #tpu.memory_space<vmem>>, vector<16xf32>,
      } {sc.loop_unroll_factor = 8 : i64, sc.parallel_access}
      %sub3A_111 = arith.constant 5 : i32
      %sub3A_112 = arith.subi %sub3A_85, %sub3A_111 : i32
      %parallel_loop3A_113 = arith.constant 0 : i32
      %parallel_loop3A_114 = arith.constant 2048 : i32
      %parallel_loop3A_115 = arith.constant 16 : i32
      scf.for %parallel_loop3A_142 = %parallel_loop3A_113 to %parallel_loop3A_114 step %parallel_loop3A_115  : i32 {
        %parallel_loop3A_143 = arith.addi %sub3A_112, %parallel_loop3A_142 : i32
        %parallel_loop3A_144 = arith.index_cast %parallel_loop3A_143 : i32 to index
        %parallel_loop3A_145 = tpu.vector_load %arg7[%parallel_loop3A_144] {strides = array<i32>} : memref<4112xf32, #tpu.memory_space<vmem>>, vector<16xf32>,
        %parallel_loop3A_146 = arith.constant 5 : i32
        %parallel_loop3A_147 = arith.index_cast %and3A_82 : i32 to index
        %parallel_loop3A_148 = arith.index_cast %parallel_loop3A_146 : i32 to index
        %parallel_loop3A_149 = arith.index_cast %parallel_loop3A_142 : i32 to index
        %parallel_loop3A_150 = tpu.vector_load %arg8[%parallel_loop3A_147, %parallel_loop3A_148, %parallel_loop3A_149] {strides = array<i32>} : memref<4x8x2048xf32, #tpu.memory_space<vmem>>, vector<16xf32>,
        tpu.vector_store %arg8[%parallel_loop3A_147, %parallel_loop3A_148, %parallel_loop3A_149], %parallel_loop3A_145 {strides = array<i32>} : memref<4x8x2048xf32, #tpu.memory_space<vmem>>, vector<16xf32>,
      } {sc.loop_unroll_factor = 8 : i64, sc.parallel_access}
      %sub3A_116 = arith.constant 6 : i32
      %sub3A_117 = arith.subi %sub3A_85, %sub3A_116 : i32
      %parallel_loop3A_118 = arith.constant 0 : i32
      %parallel_loop3A_119 = arith.constant 2048 : i32
      %parallel_loop3A_120 = arith.constant 16 : i32
      scf.for %parallel_loop3A_142 = %parallel_loop3A_118 to %parallel_loop3A_119 step %parallel_loop3A_120  : i32 {
        %parallel_loop3A_143 = arith.addi %sub3A_117, %parallel_loop3A_142 : i32
        %parallel_loop3A_144 = arith.index_cast %parallel_loop3A_143 : i32 to index
        %parallel_loop3A_145 = tpu.vector_load %arg7[%parallel_loop3A_144] {strides = array<i32>} : memref<4112xf32, #tpu.memory_space<vmem>>, vector<16xf32>,
        %parallel_loop3A_146 = arith.constant 6 : i32
        %parallel_loop3A_147 = arith.index_cast %and3A_82 : i32 to index
        %parallel_loop3A_148 = arith.index_cast %parallel_loop3A_146 : i32 to index
        %parallel_loop3A_149 = arith.index_cast %parallel_loop3A_142 : i32 to index
        %parallel_loop3A_150 = tpu.vector_load %arg8[%parallel_loop3A_147, %parallel_loop3A_148, %parallel_loop3A_149] {strides = array<i32>} : memref<4x8x2048xf32, #tpu.memory_space<vmem>>, vector<16xf32>,
        tpu.vector_store %arg8[%parallel_loop3A_147, %parallel_loop3A_148, %parallel_loop3A_149], %parallel_loop3A_145 {strides = array<i32>} : memref<4x8x2048xf32, #tpu.memory_space<vmem>>, vector<16xf32>,
      } {sc.loop_unroll_factor = 8 : i64, sc.parallel_access}
      %sub3A_121 = arith.constant 7 : i32
      %sub3A_122 = arith.subi %sub3A_85, %sub3A_121 : i32
      %parallel_loop3A_123 = arith.constant 0 : i32
      %parallel_loop3A_124 = arith.constant 2048 : i32
      %parallel_loop3A_125 = arith.constant 16 : i32
      scf.for %parallel_loop3A_142 = %parallel_loop3A_123 to %parallel_loop3A_124 step %parallel_loop3A_125  : i32 {
        %parallel_loop3A_143 = arith.addi %sub3A_122, %parallel_loop3A_142 : i32
        %parallel_loop3A_144 = arith.index_cast %parallel_loop3A_143 : i32 to index
        %parallel_loop3A_145 = tpu.vector_load %arg7[%parallel_loop3A_144] {strides = array<i32>} : memref<4112xf32, #tpu.memory_space<vmem>>, vector<16xf32>,
        %parallel_loop3A_146 = arith.constant 7 : i32
        %parallel_loop3A_147 = arith.index_cast %and3A_82 : i32 to index
        %parallel_loop3A_148 = arith.index_cast %parallel_loop3A_146 : i32 to index
        %parallel_loop3A_149 = arith.index_cast %parallel_loop3A_142 : i32 to index
        %parallel_loop3A_150 = tpu.vector_load %arg8[%parallel_loop3A_147, %parallel_loop3A_148, %parallel_loop3A_149] {strides = array<i32>} : memref<4x8x2048xf32, #tpu.memory_space<vmem>>, vector<16xf32>,
        tpu.vector_store %arg8[%parallel_loop3A_147, %parallel_loop3A_148, %parallel_loop3A_149], %parallel_loop3A_145 {strides = array<i32>} : memref<4x8x2048xf32, #tpu.memory_space<vmem>>, vector<16xf32>,
      } {sc.loop_unroll_factor = 8 : i64, sc.parallel_access}
      %mul3A_126 = arith.constant 8 : i32
      %mul3A_127 = arith.muli %scan3A_79, %mul3A_126 : i32
      %multiple_of3A = tpu.assume_multiple %mul3A_127, 8 : i32
      %dma_start3A = arith.constant 0 : i32
      %dma_start3A_128 = arith.constant 0 : i32
      %dma_start3A_129 = arith.constant 0 : i32
      %dma_start3A_130 = tpu.memref_slice %arg8[%and3A_82, %dma_start3A_128, %dma_start3A_129] : memref<4x8x2048xf32, #tpu.memory_space<vmem>> -> memref<1x8x2048xf32, #tpu.memory_space<vmem>>
      %dma_start3A_131 = tpu.memref_squeeze %dma_start3A_130 : memref<1x8x2048xf32, #tpu.memory_space<vmem>> -> memref<8x2048xf32, #tpu.memory_space<vmem>>
      %dma_start3A_132 = arith.constant 0 : i32
      %dma_start3A_133 = tpu.memref_slice %arg4[%dma_start3A, %add3A, %multiple_of3A, %dma_start3A_132] : memref<1x32x2048x2048xf32, #tpu.memory_space<hbm>> -> memref<1x1x8x2048xf32, #tpu.memory_space<hbm>>
      %dma_start3A_134 = tpu.memref_squeeze %dma_start3A_133 : memref<1x1x8x2048xf32, #tpu.memory_space<hbm>> -> memref<8x2048xf32, #tpu.memory_space<hbm>>
      %dma_start3A_135 = arith.constant 0 : i32
      %dma_start3A_136 = tpu.memref_slice %arg4[%dma_start3A, %add3A, %multiple_of3A, %dma_start3A_135] : memref<1x32x2048x2048xf32, #tpu.memory_space<hbm>> -> memref<1x1x8x2048xf32, #tpu.memory_space<hbm>>
      %dma_start3A_137 = tpu.memref_squeeze %dma_start3A_136 : memref<1x1x8x2048xf32, #tpu.memory_space<hbm>> -> memref<8x2048xf32, #tpu.memory_space<hbm>>
      %dma_start3A_138 = arith.constant 0 : i32
      %dma_start3A_139 = arith.constant 0 : i32
      %dma_start3A_140 = tpu.memref_slice %arg8[%and3A_82, %dma_start3A_138, %dma_start3A_139] : memref<4x8x2048xf32, #tpu.memory_space<vmem>> -> memref<1x8x2048xf32, #tpu.memory_space<vmem>>
      %dma_start3A_141 = tpu.memref_squeeze %dma_start3A_140 : memref<1x8x2048xf32, #tpu.memory_space<vmem>> -> memref<8x2048xf32, #tpu.memory_space<vmem>>
      tpu.enqueue_dma source(%dma_start3A_141 : memref<8x2048xf32, #tpu.memory_space<vmem>>) target(%dma_start3A_137 : memref<8x2048xf32, #tpu.memory_space<hbm>>) target_semaphore(%arg9 : memref<!tpu.dma_semaphore, #tpu.memory_space<semaphore_mem>>)
    }
    %scan3A_7 = arith.constant 256 : i32
    %dma_wait3A = arith.constant 0 : i32
    %dma_wait3A_8 = arith.constant 0 : i32
    %dma_wait3A_9 = arith.constant 0 : i32
    %dma_wait3A_10 = arith.constant 0 : i32
    %dma_wait3A_11 = tpu.memref_slice %arg8[%dma_wait3A, %dma_wait3A_9, %dma_wait3A_10] : memref<4x8x2048xf32, #tpu.memory_space<vmem>> -> memref<1x8x2048xf32, #tpu.memory_space<vmem>>
    %dma_wait3A_12 = tpu.memref_squeeze %dma_wait3A_11 : memref<1x8x2048xf32, #tpu.memory_space<vmem>> -> memref<8x2048xf32, #tpu.memory_space<vmem>>
    %dma_wait3A_13 = arith.constant 0 : i32
    %dma_wait3A_14 = arith.constant 0 : i32
    %dma_wait3A_15 = tpu.memref_slice %arg4[%dma_wait3A_8, %add3A, %dma_wait3A_13, %dma_wait3A_14] : memref<1x32x2048x2048xf32, #tpu.memory_space<hbm>> -> memref<1x1x8x2048xf32, #tpu.memory_space<hbm>>
    %dma_wait3A_16 = tpu.memref_squeeze %dma_wait3A_15 : memref<1x1x8x2048xf32, #tpu.memory_space<hbm>> -> memref<8x2048xf32, #tpu.memory_space<hbm>>
    %dma_wait3A_17 = arith.constant 0 : i32
    %dma_wait3A_18 = arith.constant 0 : i32
    %dma_wait3A_19 = tpu.memref_slice %arg4[%dma_wait3A_8, %add3A, %dma_wait3A_17, %dma_wait3A_18] : memref<1x32x2048x2048xf32, #tpu.memory_space<hbm>> -> memref<1x1x8x2048xf32, #tpu.memory_space<hbm>>
    %dma_wait3A_20 = tpu.memref_squeeze %dma_wait3A_19 : memref<1x1x8x2048xf32, #tpu.memory_space<hbm>> -> memref<8x2048xf32, #tpu.memory_space<hbm>>
    %dma_wait3A_21 = arith.constant 0 : i32
    %dma_wait3A_22 = arith.constant 0 : i32
    %dma_wait3A_23 = tpu.memref_slice %arg8[%dma_wait3A, %dma_wait3A_21, %dma_wait3A_22] : memref<4x8x2048xf32, #tpu.memory_space<vmem>> -> memref<1x8x2048xf32, #tpu.memory_space<vmem>>
    %dma_wait3A_24 = tpu.memref_squeeze %dma_wait3A_23 : memref<1x8x2048xf32, #tpu.memory_space<vmem>> -> memref<8x2048xf32, #tpu.memory_space<vmem>>
    tpu.wait_dma2 semaphore(%arg9 : memref<!tpu.dma_semaphore, #tpu.memory_space<semaphore_mem>>) src(%dma_wait3A_24 : memref<8x2048xf32, #tpu.memory_space<vmem>>) dst(%dma_wait3A_20 : memref<8x2048xf32, #tpu.memory_space<hbm>>)
    %dma_wait3A_25 = arith.constant 0 : i32
    %dma_wait3A_26 = arith.constant 0 : i32
    %dma_wait3A_27 = arith.constant 0 : i32
    %dma_wait3A_28 = arith.constant 0 : i32
    %dma_wait3A_29 = tpu.memref_slice %arg8[%dma_wait3A_25, %dma_wait3A_27, %dma_wait3A_28] : memref<4x8x2048xf32, #tpu.memory_space<vmem>> -> memref<1x8x2048xf32, #tpu.memory_space<vmem>>
    %dma_wait3A_30 = tpu.memref_squeeze %dma_wait3A_29 : memref<1x8x2048xf32, #tpu.memory_space<vmem>> -> memref<8x2048xf32, #tpu.memory_space<vmem>>
    %dma_wait3A_31 = arith.constant 0 : i32
    %dma_wait3A_32 = arith.constant 0 : i32
    %dma_wait3A_33 = tpu.memref_slice %arg4[%dma_wait3A_26, %add3A, %dma_wait3A_31, %dma_wait3A_32] : memref<1x32x2048x2048xf32, #tpu.memory_space<hbm>> -> memref<1x1x8x2048xf32, #tpu.memory_space<hbm>>
    %dma_wait3A_34 = tpu.memref_squeeze %dma_wait3A_33 : memref<1x1x8x2048xf32, #tpu.memory_space<hbm>> -> memref<8x2048xf32, #tpu.memory_space<hbm>>
    %dma_wait3A_35 = arith.constant 0 : i32
    %dma_wait3A_36 = arith.constant 0 : i32
    %dma_wait3A_37 = tpu.memref_slice %arg4[%dma_wait3A_26, %add3A, %dma_wait3A_35, %dma_wait3A_36] : memref<1x32x2048x2048xf32, #tpu.memory_space<hbm>> -> memref<1x1x8x2048xf32, #tpu.memory_space<hbm>>
    %dma_wait3A_38 = tpu.memref_squeeze %dma_wait3A_37 : memref<1x1x8x2048xf32, #tpu.memory_space<hbm>> -> memref<8x2048xf32, #tpu.memory_space<hbm>>
    %dma_wait3A_39 = arith.constant 0 : i32
    %dma_wait3A_40 = arith.constant 0 : i32
    %dma_wait3A_41 = tpu.memref_slice %arg8[%dma_wait3A_25, %dma_wait3A_39, %dma_wait3A_40] : memref<4x8x2048xf32, #tpu.memory_space<vmem>> -> memref<1x8x2048xf32, #tpu.memory_space<vmem>>
    %dma_wait3A_42 = tpu.memref_squeeze %dma_wait3A_41 : memref<1x8x2048xf32, #tpu.memory_space<vmem>> -> memref<8x2048xf32, #tpu.memory_space<vmem>>
    tpu.wait_dma2 semaphore(%arg9 : memref<!tpu.dma_semaphore, #tpu.memory_space<semaphore_mem>>) src(%dma_wait3A_42 : memref<8x2048xf32, #tpu.memory_space<vmem>>) dst(%dma_wait3A_38 : memref<8x2048xf32, #tpu.memory_space<hbm>>)
    %dma_wait3A_43 = arith.constant 0 : i32
    %dma_wait3A_44 = arith.constant 0 : i32
    %dma_wait3A_45 = arith.constant 0 : i32
    %dma_wait3A_46 = arith.constant 0 : i32
    %dma_wait3A_47 = tpu.memref_slice %arg8[%dma_wait3A_43, %dma_wait3A_45, %dma_wait3A_46] : memref<4x8x2048xf32, #tpu.memory_space<vmem>> -> memref<1x8x2048xf32, #tpu.memory_space<vmem>>
    %dma_wait3A_48 = tpu.memref_squeeze %dma_wait3A_47 : memref<1x8x2048xf32, #tpu.memory_space<vmem>> -> memref<8x2048xf32, #tpu.memory_space<vmem>>
    %dma_wait3A_49 = arith.constant 0 : i32
    %dma_wait3A_50 = arith.constant 0 : i32
    %dma_wait3A_51 = tpu.memref_slice %arg4[%dma_wait3A_44, %add3A, %dma_wait3A_49, %dma_wait3A_50] : memref<1x32x2048x2048xf32, #tpu.memory_space<hbm>> -> memref<1x1x8x2048xf32, #tpu.memory_space<hbm>>
    %dma_wait3A_52 = tpu.memref_squeeze %dma_wait3A_51 : memref<1x1x8x2048xf32, #tpu.memory_space<hbm>> -> memref<8x2048xf32, #tpu.memory_space<hbm>>
    %dma_wait3A_53 = arith.constant 0 : i32
    %dma_wait3A_54 = arith.constant 0 : i32
    %dma_wait3A_55 = tpu.memref_slice %arg4[%dma_wait3A_44, %add3A, %dma_wait3A_53, %dma_wait3A_54] : memref<1x32x2048x2048xf32, #tpu.memory_space<hbm>> -> memref<1x1x8x2048xf32, #tpu.memory_space<hbm>>
    %dma_wait3A_56 = tpu.memref_squeeze %dma_wait3A_55 : memref<1x1x8x2048xf32, #tpu.memory_space<hbm>> -> memref<8x2048xf32, #tpu.memory_space<hbm>>
    %dma_wait3A_57 = arith.constant 0 : i32
    %dma_wait3A_58 = arith.constant 0 : i32
    %dma_wait3A_59 = tpu.memref_slice %arg8[%dma_wait3A_43, %dma_wait3A_57, %dma_wait3A_58] : memref<4x8x2048xf32, #tpu.memory_space<vmem>> -> memref<1x8x2048xf32, #tpu.memory_space<vmem>>
    %dma_wait3A_60 = tpu.memref_squeeze %dma_wait3A_59 : memref<1x8x2048xf32, #tpu.memory_space<vmem>> -> memref<8x2048xf32, #tpu.memory_space<vmem>>
    tpu.wait_dma2 semaphore(%arg9 : memref<!tpu.dma_semaphore, #tpu.memory_space<semaphore_mem>>) src(%dma_wait3A_60 : memref<8x2048xf32, #tpu.memory_space<vmem>>) dst(%dma_wait3A_56 : memref<8x2048xf32, #tpu.memory_space<hbm>>)
    %dma_wait3A_61 = arith.constant 0 : i32
    %dma_wait3A_62 = arith.constant 0 : i32
    %dma_wait3A_63 = arith.constant 0 : i32
    %dma_wait3A_64 = arith.constant 0 : i32
    %dma_wait3A_65 = tpu.memref_slice %arg8[%dma_wait3A_61, %dma_wait3A_63, %dma_wait3A_64] : memref<4x8x2048xf32, #tpu.memory_space<vmem>> -> memref<1x8x2048xf32, #tpu.memory_space<vmem>>
    %dma_wait3A_66 = tpu.memref_squeeze %dma_wait3A_65 : memref<1x8x2048xf32, #tpu.memory_space<vmem>> -> memref<8x2048xf32, #tpu.memory_space<vmem>>
    %dma_wait3A_67 = arith.constant 0 : i32
    %dma_wait3A_68 = arith.constant 0 : i32
    %dma_wait3A_69 = tpu.memref_slice %arg4[%dma_wait3A_62, %add3A, %dma_wait3A_67, %dma_wait3A_68] : memref<1x32x2048x2048xf32, #tpu.memory_space<hbm>> -> memref<1x1x8x2048xf32, #tpu.memory_space<hbm>>
    %dma_wait3A_70 = tpu.memref_squeeze %dma_wait3A_69 : memref<1x1x8x2048xf32, #tpu.memory_space<hbm>> -> memref<8x2048xf32, #tpu.memory_space<hbm>>
    %dma_wait3A_71 = arith.constant 0 : i32
    %dma_wait3A_72 = arith.constant 0 : i32
    %dma_wait3A_73 = tpu.memref_slice %arg4[%dma_wait3A_62, %add3A, %dma_wait3A_71, %dma_wait3A_72] : memref<1x32x2048x2048xf32, #tpu.memory_space<hbm>> -> memref<1x1x8x2048xf32, #tpu.memory_space<hbm>>
    %dma_wait3A_74 = tpu.memref_squeeze %dma_wait3A_73 : memref<1x1x8x2048xf32, #tpu.memory_space<hbm>> -> memref<8x2048xf32, #tpu.memory_space<hbm>>
    %dma_wait3A_75 = arith.constant 0 : i32
    %dma_wait3A_76 = arith.constant 0 : i32
    %dma_wait3A_77 = tpu.memref_slice %arg8[%dma_wait3A_61, %dma_wait3A_75, %dma_wait3A_76] : memref<4x8x2048xf32, #tpu.memory_space<vmem>> -> memref<1x8x2048xf32, #tpu.memory_space<vmem>>
    %dma_wait3A_78 = tpu.memref_squeeze %dma_wait3A_77 : memref<1x8x2048xf32, #tpu.memory_space<vmem>> -> memref<8x2048xf32, #tpu.memory_space<vmem>>
    tpu.wait_dma2 semaphore(%arg9 : memref<!tpu.dma_semaphore, #tpu.memory_space<semaphore_mem>>) src(%dma_wait3A_78 : memref<8x2048xf32, #tpu.memory_space<vmem>>) dst(%dma_wait3A_74 : memref<8x2048xf32, #tpu.memory_space<hbm>>)
    return
  }
}

</mosaic_0001>

<sc_bundles>
// kernel: kernel.3.cloned.1.call-start
scs
__scs_entry_jumppad:
0x0: {  	(pc) =	sbr.rel $0x88, $3  }
0x1: {  	(tag) =	ssettag $0x0;
	lr =	simm.s32 $0x1  }
0x2: {  	[smem:$0x3FA0] =	sst lr;
	_ =	strace $0xD0000000  }
0x3: {  	_ = 	snop  }
0x4: {  	_ = 	snop  }
0x5: {  	_ = 	snop  }
0x6: {  	_ = 	snop  }
0x7: {  	_ = 	snop  }
__scs_overlays_trampoline_lowered:
0x8: {  	[smem:$0x3FAF] =	sst s0  }
0x9: {  	[smem:$0x3FB0] =	sst s1  }
0xa: {  	[smem:$0x3FB1] =	sst s2  }
0xb: {  	[smem:$0x3FB2] =	sst s3  }
0xc: {  	[smem:$0x3FB3] =	sst s4  }
0xd: {  	[smem:$0x3FB4] =	sst s5  }
0xe: {  	[smem:$0x3FB5] =	sst s6  }
0xf: {  	[smem:$0x3FB6] =	sst s7  }
0x10: {  	[smem:$0x3FB7] =	sst s8  }
0x11: {  	[smem:$0x3FB8] =	sst s9;
	s0 =	simm.s32 @!p0 $0x0  }
0x12: {  	s1 =	sld [smem:$0x3F9E];
	s0 =	simm.s32 @p0 $0x1  }
0x13: {  	[smem:$0x3FB9] =	sst s0;
	s0 =	simm.s32 @!p1 $0x0  }
0x14: {  	s2 =	sld [smem:$0x3F9D];
	s0 =	simm.s32 @p1 $0x1  }
0x15: {  	[smem:$0x3FBA] =	sst s0;
	s0 =	simm.s32 @!p2 $0x0  }
0x16: {  	s3 =	sld [smem:$0x3FDB];
	s0 =	simm.s32 @p2 $0x1  }
0x17: {  	s4 =	simm.s32 $0x1BF5;
	[smem:$0x3FBC] =	sst s0  }
0x18: {  	s0 =	sld [smem:$0x3F9F];
	_ =	swait.ge [sflag:s4], $0x0  }
0x19: {  	s7 =	sld [smem:$0x3FA0]  }
0x1a: {  	s8 =	sadd.s32 $0xFFFFE003, lr  }
0x1b: {  	s9 =	sadd.s32 $0xFFFFFEF7, lr;
	s5 =	simm.s32 $0xFFFFFFFF;
	p2 =	slt.u32 s8, $0xFFFFF086  }
0x1c: {  	p1 =	slt.u32 s9, $0xF7A;
	s5 =	simm.s32 @!p2 $0x0  }
0x1d: {  	s5 =	simm.s32 @p1 $0x1;
	p0 =	seq.s32 s7, s2  }
0x1e: {  	s7 =	smul.u32 @!p0 $0xF7A, s2;
	p2 =	seq.s32 @!p0 s5, $0x0  }
0x1f: {  	s9 =	smul.u32 $0xF7A, s1;
	s8 =	simm.s32 @!p0 $0x1BF5;
	p2 =	por !p2, p0  }
0x20: {  	[sflag:s8] =	ssyncset.s32 @!p0 $0xFFFFF086;
	s6 =	sadd.s32 @!p0 s3, s7;
	s7 =	simm.s32 @!p0 $0x108  }
0x21: {  	s3 =	sadd.s32 s3, s9;
	s6 =	sadd.s32 @!p0 $0x88, s6;
	s7 =	simm.s32 @p2 $0x1082  }
0x22: {  	[simem:s7], [sflag:s8] =	dma.local @!p0 [hbm:s6], $0xF7A  }
0x23: {  	s9 =	sor.u32 $0xD0000000, s2;
	s6 =	simm.s32 $0x108;
	_ =	swait.ge @!p0 [sflag:s8], $0x0  }
0x24: {  	s3 =	sadd.s32 $0x88, s3;
	s6 =	simm.s32 @!p1 $0x1082;
	[sflag:s4] =	ssyncset.s32 $0xFFFFF086  }
0x25: {  	[simem:s6], [sflag:s4] =	dma.local [hbm:s3], $0xF7A  }
0x26: {  	[smem:$0x3FA0] =	sst s1;
	(tag) =	ssettag s2;
	_ =	strace s9  }
0x27: {  	s1 =	sld [smem:$0x3FB0]  }
0x28: {  	s2 =	sld [smem:$0x3FB1]  }
0x29: {  	s4 =	sld [smem:$0x3FB3]  }
0x2a: {  	p0 =	seq.s32 s5, $0x0;
	s5 =	sld [smem:$0x3FB4]  }
0x2b: {  	s6 =	sld [smem:$0x3FB5]  }
0x2c: {  	s7 =	sld [smem:$0x3FB6]  }
0x2d: {  	s3 =	simm.s32 $0x108;
	s8 =	sld [smem:$0x3FB7]  }
0x2e: {  	s3 =	simm.s32 @!p0 $0x1082;
	s9 =	sld [smem:$0x3FB8]  }
0x2f: {  	lr =	sadd.s32 s0, s3;
	s0 =	sld [smem:$0x3FAF]  }
0x30: {  	s3 =	sld [smem:$0x3FB2]  }
0x31: {  	[smem:$0x3FBB] =	sst s10  }
0x32: {  	s10 =	sld [smem:$0x3FB9];
	_ =	sdelay $0x3  }
0x33: {  	p0 =	seq.s32 s10, $0x1;
	s10 =	sld [smem:$0x3FBB];
	_ =	sdelay $0x3  }
0x34: {  	[smem:$0x3FBB] =	sst s10  }
0x35: {  	s10 =	sld [smem:$0x3FBA];
	_ =	sdelay $0x3  }
0x36: {  	p1 =	seq.s32 s10, $0x1;
	s10 =	sld [smem:$0x3FBB];
	_ =	sdelay $0x3  }
0x37: {  	[smem:$0x3FBB] =	sst s10  }
0x38: {  	s10 =	sld [smem:$0x3FBC]  }
0x39: {  	_ = 	snop;
	(pc) =	sbr.ind lr, $3  }
0x3a: {  	_ = 	snop  }
0x3b: {  	_ = 	snop  }
0x3c: {  	p2 =	seq.s32 s10, $0x1;
	s10 =	sld [smem:$0x3FBB]  }
0x3d: {  	_ =	shalt  }
0x3e: {  	_ =	shalt  }
0x3f: {  	_ =	shalt  }
0x40: {  	_ =	shalt  }
0x41: {  	_ =	shalt  }
0x42: {  	_ =	shalt  }
0x43: {  	_ =	shalt  }
0x44: {  	_ =	shalt  }
0x45: {  	_ =	shalt  }
0x46: {  	_ =	shalt  }
0x47: {  	_ =	shalt  }
0x48: {  	_ =	shalt  }
0x49: {  	_ =	shalt  }
0x4a: {  	_ =	shalt  }
0x4b: {  	_ =	shalt  }
0x4c: {  	_ =	shalt  }
0x4d: {  	_ =	shalt  }
0x4e: {  	_ =	shalt  }
0x4f: {  	_ =	shalt  }
0x50: {  	_ =	shalt  }
0x51: {  	_ =	shalt  }
0x52: {  	_ =	shalt  }
0x53: {  	_ =	shalt  }
0x54: {  	_ =	shalt  }
0x55: {  	_ =	shalt  }
0x56: {  	_ =	shalt  }
0x57: {  	_ =	shalt  }
0x58: {  	_ =	shalt  }
0x59: {  	_ =	shalt  }
0x5a: {  	_ =	shalt  }
0x5b: {  	_ =	shalt  }
0x5c: {  	_ =	shalt  }
0x5d: {  	_ =	shalt  }
0x5e: {  	_ =	shalt  }
0x5f: {  	_ =	shalt  }
0x60: {  	_ =	shalt  }
0x61: {  	_ =	shalt  }
0x62: {  	_ =	shalt  }
0x63: {  	_ =	shalt  }
0x64: {  	_ =	shalt  }
0x65: {  	_ =	shalt  }
0x66: {  	_ =	shalt  }
0x67: {  	_ =	shalt  }
0x68: {  	_ =	shalt  }
0x69: {  	_ =	shalt  }
0x6a: {  	_ =	shalt  }
0x6b: {  	_ =	shalt  }
0x6c: {  	_ =	shalt  }
0x6d: {  	_ =	shalt  }
0x6e: {  	_ =	shalt  }
0x6f: {  	_ =	shalt  }
0x70: {  	_ =	shalt  }
0x71: {  	_ =	shalt  }
0x72: {  	_ =	shalt  }
0x73: {  	_ =	shalt  }
0x74: {  	_ =	shalt  }
0x75: {  	_ =	shalt  }
0x76: {  	_ =	shalt  }
0x77: {  	_ =	shalt  }
0x78: {  	_ =	shalt  }
0x79: {  	_ =	shalt  }
0x7a: {  	_ =	shalt  }
0x7b: {  	_ =	shalt  }
0x7c: {  	_ =	shalt  }
0x7d: {  	_ =	shalt  }
0x7e: {  	_ =	shalt  }
0x7f: {  	_ =	shalt  }
0x80: {  	_ =	shalt  }
0x81: {  	_ =	shalt  }
0x82: {  	_ =	shalt  }
0x83: {  	_ =	shalt  }
0x84: {  	_ =	shalt  }
0x85: {  	_ =	shalt  }
0x86: {  	_ =	shalt  }
0x87: {  	_ =	shalt  }
.Lfunc_end0:
.L_simem_size_0:
called_computation_lowered:
.L_overlay_start_0:
0x88: {  	s2 =	sld [smem:$0x3FD9]  }
0x89: {  	s3 =	sld [smem:$0x3FFE];
	_ =	sdelay $0x1  }
0x8a: {  	s1 =	srdreg.scid  }
0x8b: {  	s0 =	sand.u32 $0x1, s1  }
0x8c: {  	s17 =	sshll.u32 s0, $0xA;
	s2 =	sadd.s32 s3, s2  }
0x8d: {  	s2 =	sadd.s32 s2, s17  }
0x8e: {  	[smem:$0x3FC7] =	sst s2  }
0x8f: {  	_ = 	snop  }
0x90: {  	s2 =	sld [smem:$0x3FD0];
	(tm) =	ssettm $0x1  }
0x91: {  	s18 =	sld [smem:$0x3FFB];
	_ =	sdelay $0x3  }
0x92: {  	_ =	strace s18  }
0x93: {  	s3 =	sld [smem:$0x3FFC];
	_ =	sdelay $0x3  }
0x94: {  	_ =	strace s3  }
0x95: {  	s3 =	sld [smem:$0x3FFD];
	_ =	sdelay $0x3  }
0x96: {  	_ =	strace s3  }
0x97: {  	_ =	strace $0x8FFFFFFF  }
0x98: {  	s19 =	sld [smem:$0x3FDB];
	_ =	sdelay $0x1  }
0x99: {  	s4 =	simm.s32 $_scs_section_size  }
0x9a: {  	s5 =	simm.s32 $_size__tile_overlayer_lowered;
	s6 =	simm.s32 $_tile_overlayer_lowered  }
0x9b: {  	s22 =	simm.s32 $0x1BFF;
	s21 =	sshll.u32 s6, $0x1;
	s3 =	sadd.s32 s4, s19  }
0x9c: {  	s7 =	simm.s32 $0x0;
	s20 =	sshll.u32 s5, $0x1;
	s5 =	sadd.s32 s21, s3  }
0x9d: {  	[timem:s7], [sflag:s22] =	dma.local [hbm:s5], s20  }
0x9e: {  	_ =	swait.ge [sflag:s22], s20  }
0x9f: {  	s4 =	ssub.s32 $0x0, s20;
	[sflag:s22] =	ssyncset.done $0x0  }
0xa0: {  	[sflag:s22] =	ssyncadd.s32 s4;
	_ =	sdelay $0x1  }
0xa1: {  	s23 =	simm.s32 $0x1B8B  }
0xa2: {  	_ =	swait.ge [sflag:s23], $0x1  }
0xa3: {  	[sflag:s23] =	ssyncset.done $0x0  }
0xa4: {  	s25 =	simm.s32 $0x1B8E;
	s24 =	sld [smem:$0x3FFE];
	[sflag:s23] =	ssyncadd.s32 $0xFFFFFFFF  }
0xa5: {  	s26 =	simm.s32 $execute0_lowered;
	[smem:$0x3FD2] =	sst s25  }
0xa6: {  	s5 =	sshll.u32 s26, $0x1;
	_ =	strace $0x80000046;
	[dreg:$0x1] =	wrdreg $0xFFFFFFFF  }
0xa7: {  	s28 =	simm.s32 $_size_execute0_lowered;
	s3 =	sadd.s32 s3, s5;
	[dreg:$0x0] =	wrdreg $0x0  }
0xa8: {  	s5 =	sshll.u32 s28, $0x1;
	[dreg:$0x2] =	wrdreg s3  }
0xa9: {  	[dreg:$0x3] =	wrdreg s5  }
0xaa: {  	[dreg:$0x4] =	wrdreg $0xC0  }
0xab: {  	_ =	task [dreg:s7], $0x5FFFF  }
0xac: {  	[dreg:$0x1] =	wrdreg $0xFFFFFFFF  }
0xad: {  	[dreg:$0x0] =	wrdreg $0x60  }
0xae: {  	[dreg:$0x2] =	wrdreg s24  }
0xaf: {  	[dreg:$0x3] =	wrdreg s2  }
0xb0: {  	[dreg:$0x4] =	wrdreg $0x9  }
0xb1: {  	_ =	task.clear_ibuf [dreg:s7], $0x5FFFF;
	_ =	strace $0x90000046  }
0xb2: {  	s29 =	simm.s32 $0x9;
	_ =	strace $0x80000048  }
0xb3: {  	_ =	swait.ge [sflag:s29], $0x1  }
0xb4: {  	[sflag:s29] =	ssyncadd.s32 $0xFFFFFFFF  }
0xb5: {  	_ =	strace $0x90000048  }
0xb6: {  	_ =	sfence  }
0xb7: {  	s30 =	sld [smem:$0x0];
	_ =	sdelay $0x2  }
0xb8: {  	s31 =	sshll.u32 s1, $0xD;
	s1 =	sshrl.u32 s1, $0x2  }
0xb9: {  	s3 =	sand.u32 $0x4000, s31;
	s1 =	sadd.s32 s1, s30  }
0xba: {  	s0 =	sor.u32 s3, s0;
	s1 =	sshll.u32 s1, $0x11  }
0xbb: {  	s0 =	sor.u32 s1, s0  }
0xbc: {  	s0 =	sadd.s32 $0x8F2B, s0  }
0xbd: {  	[sflag:s0] =	ssyncadd.remote.s32 $0x1  }
0xbe: {  	_ =	sfence.sel $0xFFFF  }
0xbf: {  	[dreg:$0x0] =	wrdreg $0xFFFFFFFF;
	(pc) =	sbr.abs _section_cstart, $3  }
0xc0: {  	[dreg:$0x1] =	wrdreg $0xFFFFFFFF  }
0xc1: {  	_ =	task.clear_ibuf [dreg:s7], $0x2FFFF;
	_ =	strace $0x9FFFFFFF  }
0xc2: {  	(tm) =	ssettm $0x7FFFFFFF  }
0xc3: {  	_ =	shalt  }
tec
execute0_lowered:
.L_overlay_start_1:
0x0: {  	(tag) =	ssettag $0x1  }
0x1: {  	s0 =	rddreg [dreg:$0x0]  }
0x2: {  	s1 =	rddreg [dreg:$0x1];
	s2 =	simm.s32 $0x0;
	s3 =	srdreg.scid  }
0x3: {  	s5 =	stileid.u32;
	[smem:$0x7FF] =	sst s2;
	s3 =	sand.u32 $0x1, s3  }
0x4: {  	s5 =	sshll.u32 s5, $0x1;
	s6 =	sadd.s32 $0x400, s0;
	s0 =	sadd.s32 $0x600, s0  }
0x5: {  	_ =	strace $0x80000047;
	s4 =	ssub.s32 $0x2, s3;
	s3 =	sor.u32 s3, s5  }
0x6: {  	[dreg:$0x3] =	wrdreg s6;
	s29 =	sshrl.u32 s4, $0x1;
	s31 =	sshll.u32 s3, $0x13  }
0x7: {  	[dreg:$0x4] =	wrdreg s0;
	s30 =	ssub.s32 s4, s29;
	s1 =	sadd.s32 s1, s31  }
0x8: {  	[dreg:$0x5] =	wrdreg s1;
	s0 =	smax.u32 s30, $0x1  }
0x9: {  	v0 =	vmov s3;
	s3 =	simm.s32 $0x0;
	[dreg:$0x6] =	wrdreg s0  }
.LBB2_1:
0xa: {  	[dreg:$0x7] =	wrdreg s3  }
0xb: {  	s0 =	rddreg [dreg:$0x3];
	s1 =	simm.s32 $0x2  }
0xc: {  	[tilespmem:s2], [sflag:$0x2] =	stream.linear.gather [hbm4b:s0+s2], $0x400, $0x38;
	[tilespmem:$0x12500] =	vst v63  }
0xd: {  	_ =	swait.ge [sflag:s1], $0x400  }
0xe: {  	[sflag:s1] =	ssyncset.done $0x0  }
0xf: {  	s29 =	simm.s32 $0x400;
	s28 =	rddreg [dreg:$0x4];
	[sflag:s1] =	ssyncadd.s32 $0xFFFFFC00  }
0x10: {  	[tilespmem:s29], [sflag:$0x2] =	stream.linear.gather [hbm4b:s28+s2], $0x1080, $0x38;
	[tilespmem:$0x12500] =	vst v63  }
0x11: {  	_ =	swait.ge [sflag:s1], $0x1080  }
0x12: {  	[sflag:s1] =	ssyncset.done $0x0  }
0x13: {  	s30 =	simm.s32 $0x440;
	[sflag:s1] =	ssyncadd.s32 $0xFFFFEF80  }
0x14: {  	v1 =	vld [tilespmem:s30+$0x30]  }
0x15: {  	v4 =	vld [tilespmem:s30+$0xFFFFFFF0]  }
0x16: {  	v5 =	vld [tilespmem:s30+$0x0]  }
0x17: {  	v2 =	vld [tilespmem:s30+$0xFFFFFFD0]  }
0x18: {  	v3 =	vld [tilespmem:s30+$0xFFFFFFE0]  }
0x19: {  	v6 =	vld [tilespmem:s30+$0x10]  }
0x1a: {  	v7 =	vld [tilespmem:s30+$0x20];
	v4 =	vshll.u32 v4, $0x5  }
0x1b: {  	s31 =	simm.s32 $0x4C0;
	v8 =	vld [tilespmem:s30+$0xFFFFFFC0];
	v5 =	vshll.u32 v5, $0x5;
	v4 =	vor.u32 v0, v4  }
0x1c: {  	v11 =	vld [tilespmem:s31+$0xFFFFFFE0];
	v5 =	vor.u32 v0, v5  }
0x1d: {  	v12 =	vld [tilespmem:s31+$0xFFFFFFF0]  }
0x1e: {  	v13 =	vld [tilespmem:s31+$0x0];
	v1 =	vshll.u32 v1, $0x5  }
0x1f: {  	v14 =	vld [tilespmem:s31+$0x10];
	v2 =	vshll.u32 v2, $0x5;
	v1 =	vor.u32 v0, v1  }
0x20: {  	v3 =	vshll.u32 v3, $0x5;
	v2 =	vor.u32 v0, v2;
	v9 =	vld.idx.msk [tilespmem:v4+s2+$0x0], $0xffff  }
0x21: {  	v3 =	vor.u32 v0, v3;
	v10 =	vld.idx.msk [tilespmem:v5+s2+$0x0], $0xffff  }
0x22: {  	v4 =	vld [tilespmem:s31+$0x30]  }
0x23: {  	v8 =	vshll.u32 v8, $0x5;
	v5 =	vld [tilespmem:s31+$0xFFFFFFD0]  }
0x24: {  	v6 =	vshll.u32 v6, $0x5;
	v8 =	vor.u32 v0, v8;
	v1 =	vld.idx.msk [tilespmem:v1+s2+$0x0], $0xffff  }
0x25: {  	v7 =	vshll.u32 v7, $0x5;
	v6 =	vor.u32 v0, v6;
	v2 =	vld.idx.msk [tilespmem:v2+s2+$0x0], $0xffff  }
0x26: {  	v11 =	vshll.u32 v11, $0x5;
	v7 =	vor.u32 v0, v7;
	v3 =	vld.idx.msk [tilespmem:v3+s2+$0x0], $0xffff  }
0x27: {  	v15 =	vld [tilespmem:s31+$0x20];
	v11 =	vor.u32 v0, v11;
	v4 =	vshll.u32 v4, $0x5  }
0x28: {  	s0 =	simm.s32 $0x14C0;
	v16 =	vld [tilespmem:s31+$0xFFFFFFC0];
	v5 =	vshll.u32 v5, $0x5;
	v4 =	vor.u32 v0, v4  }
0x29: {  	v12 =	vshll.u32 v12, $0x5;
	v17 =	vld.idx.msk [tilespmem:v8+s2+$0x0], $0xffff;
	[tilespmem:s0+$0x30] =	vst v1;
	v5 =	vor.u32 v0, v5  }
0x2a: {  	v8 =	vor.u32 v0, v12;
	v63 =	vld.idx.msk [tilespmem:v6+s2+$0x0], $0xffff;
	v1 =	vshll.u32 v13, $0x5;
	[tilespmem:s0+$0xFFFFFFD0] =	vst v2  }
0x2b: {  	v6 =	vld.idx.msk [tilespmem:v7+s2+$0x0], $0xffff;
	[tilespmem:s0+$0xFFFFFFE0] =	vst v3;
	v13 =	vor.u32 v0, v1  }
0x2c: {  	v7 =	vld.idx.msk [tilespmem:v11+s2+$0x0], $0xffff;
	[tilespmem:s0+$0xFFFFFFF0] =	vst v9  }
0x2d: {  	[tilespmem:s0+$0x0] =	vst v10;
	v4 =	vld.idx.msk [tilespmem:v4+s2+$0x0], $0xffff  }
0x2e: {  	[tilespmem:s0+$0xFFFFFFC0] =	vst v17;
	v5 =	vld.idx.msk [tilespmem:v5+s2+$0x0], $0xffff  }
0x2f: {  	v2 =	vshll.u32 v15, $0x5;
	v3 =	vshll.u32 v16, $0x5;
	v8 =	vld.idx.msk [tilespmem:v8+s2+$0x0], $0xffff;
	[tilespmem:s0+$0x10] =	vst v63;
	v1 =	vshll.u32 v14, $0x5  }
0x30: {  	s3 =	simm.s32 $0x540;
	s1 =	simm.s32 $0x80;
	v2 =	vor.u32 v0, v2;
	v3 =	vor.u32 v0, v3;
	v1 =	vor.u32 v0, v1;
	v9 =	vld.idx.msk [tilespmem:v13+s2+$0x0], $0xffff  }
.LBB2_2:
0x31: {  	v10 =	vld [tilespmem:s3+$0x30];
	s1 =	sadd.s32 $0x80, s1;
	[tilespmem:s0+$0x20] =	vst v6;
	s0 =	sadd.s32 $0x80, s0  }
0x32: {  	v6 =	vld [tilespmem:s3+$0xFFFFFFD0];
	p0 =	slt.u32 s1, $0xF80;
	[tilespmem:s0+$0x30] =	vst v4  }
0x33: {  	v4 =	vld [tilespmem:s3+$0xFFFFFFE0];
	[tilespmem:s0+$0xFFFFFFD0] =	vst v5  }
0x34: {  	v5 =	vld [tilespmem:s3+$0xFFFFFFF0];
	[tilespmem:s0+$0xFFFFFFE0] =	vst v7  }
0x35: {  	v7 =	vld [tilespmem:s3+$0x0];
	[tilespmem:s0+$0xFFFFFFF0] =	vst v8  }
0x36: {  	v8 =	vld [tilespmem:s3+$0x10];
	v10 =	vshll.u32 v10, $0x5;
	[tilespmem:s0+$0x0] =	vst v9  }
0x37: {  	v6 =	vshll.u32 v6, $0x5;
	v9 =	vld [tilespmem:s3+$0x20];
	v10 =	vor.u32 v0, v10  }
0x38: {  	v11 =	vld [tilespmem:s3+$0xFFFFFFC0];
	v12 =	vor.u32 v0, v6;
	v4 =	vshll.u32 v4, $0x5  }
0x39: {  	v13 =	vor.u32 v0, v4;
	v4 =	vshll.u32 v5, $0x5;
	v14 =	vld.idx.msk [tilespmem:v3+s2+$0x0], $0xffff  }
0x3a: {  	v15 =	vor.u32 v0, v4;
	v3 =	vshll.u32 v7, $0x5;
	v16 =	vld.idx.msk [tilespmem:v1+s2+$0x0], $0xffff  }
0x3b: {  	v17 =	vor.u32 v0, v3;
	v1 =	vshll.u32 v8, $0x5;
	v6 =	vld.idx.msk [tilespmem:v2+s2+$0x0], $0xffff  }
.Ltmp0:
0x3c: {  	v1 =	vor.u32 v0, v1;
	v2 =	vshll.u32 v9, $0x5;
	v4 =	vld.idx.msk [tilespmem:v10+s2+$0x0], $0xffff;
	(pc) =	sbr.rel @p0 .LBB2_2-.Ltmp0, $4  }
0x3d: {  	v3 =	vshll.u32 v11, $0x5;
	v5 =	vld.idx.msk [tilespmem:v12+s2+$0x0], $0xffff;
	v2 =	vor.u32 v0, v2  }
0x3e: {  	v3 =	vor.u32 v0, v3;
	v7 =	vld.idx.msk [tilespmem:v13+s2+$0x0], $0xffff  }
0x3f: {  	v8 =	vld.idx.msk [tilespmem:v15+s2+$0x0], $0xffff;
	[tilespmem:s0+$0xFFFFFFC0] =	vst v14  }
0x40: {  	s3 =	sadd.s32 $0x80, s3;
	v9 =	vld.idx.msk [tilespmem:v17+s2+$0x0], $0xffff;
	[tilespmem:s0+$0x10] =	vst v16  }
0x41: {  	_ =	sdelay $0x2  }
0x42: {  	[tilespmem:s0+$0x20] =	vst v6;
	s31 =	sadd.s32 $0x80, s0  }
0x43: {  	v3 =	vld.idx.msk [tilespmem:v3+s2+$0x0], $0xffff;
	[tilespmem:s31+$0x30] =	vst v4  }
0x44: {  	v1 =	vld.idx.msk [tilespmem:v1+s2+$0x0], $0xffff;
	[tilespmem:s31+$0xFFFFFFD0] =	vst v5  }
0x45: {  	v2 =	vld.idx.msk [tilespmem:v2+s2+$0x0], $0xffff;
	[tilespmem:s31+$0xFFFFFFE0] =	vst v7  }
0x46: {  	[tilespmem:s31+$0xFFFFFFF0] =	vst v8  }
0x47: {  	[tilespmem:s31+$0x0] =	vst v9  }
0x48: {  	[tilespmem:s31+$0xFFFFFFC0] =	vst v3  }
0x49: {  	[tilespmem:s31+$0x10] =	vst v1  }
0x4a: {  	[tilespmem:s31+$0x20] =	vst v2  }
0x4b: {  	v1 =	vld [tilespmem:$0x1400];
	_ =	sdelay $0x4  }
0x4c: {  	v1 =	vshll.u32 v1, $0x5  }
0x4d: {  	v1 =	vor.u32 v0, v1;
	_ =	sdelay $0x3  }
0x4e: {  	s5 =	simm.s32 $0x0  }
0x4f: {  	s12 =	simm.s32 $0x1CEF;
	s13 =	simm.s32 $0x7FE;
	v1 =	vld.idx.msk [tilespmem:v1+s5+$0x0], $0xffff  }
0x50: {  	s14 =	simm.s32 $0x1CEE;
	s15 =	simm.s32 $0x7FD;
	s16 =	simm.s32 $0x78  }
0x51: {  	s17 =	simm.s32 $0x1CED;
	s18 =	simm.s32 $0x7FC;
	s19 =	simm.s32 $0x1CEC  }
0x52: {  	s20 =	simm.s32 $0x7FB;
	s21 =	simm.s32 $0x1CEB;
	s22 =	simm.s32 $0x7FA  }
0x53: {  	s23 =	simm.s32 $0x1CEA;
	s24 =	simm.s32 $0x7F9;
	s25 =	simm.s32 $0x1CE9  }
0x54: {  	s26 =	simm.s32 $0x7F8;
	s28 =	simm.s32 $0x1CE8;
	s29 =	simm.s32 $0x0;
	[tilespmem:$0x2480] =	vst v1  }
.LBB2_4:
0x55: {  	s0 =	sand.u32 $0x3FFFFFF8, s26;
	s1 =	sshll.u32 s24, $0x2;
	s3 =	sshll.u32 s16, $0x2  }
0x56: {  	s0 =	sadd.s32 $0x1480, s0;
	s1 =	sand.u32 $0xFFFFFE00, s1;
	s4 =	sand.u32 $0x1FC, s3  }
0x57: {  	[dreg:$0x9] =	wrdreg s0;
	s0 =	sor.u32 s4, s1  }
0x58: {  	s0 =	sshrl.u32 s0, $0x2  }
0x59: {  	[dreg:$0x8] =	wrdreg s5;
	p0 =	slt.u32 s29, $0x4;
	s0 =	sadd.s32 $0x1481, s0  }
0x5a: {  	s5 =	sshll.u32 s5, $0xE;
	s3 =	simm.s32 @!p0 $0x1;
	[dreg:$0xb] =	wrdreg s0  }
0x5b: {  	s6 =	sshll.u32 s20, $0x2;
	s8 =	sand.u32 $0x3FFFFFFE, s22;
	_ =	swait.ge @!p0 [sflag:s3], $0x4000  }
0x5c: {  	s9 =	sadd.s32 $0x1480, s8;
	s0 =	sand.u32 $0xFFFFFE00, s6;
	[sflag:s3] =	ssyncset.done @!p0 $0x0  }
0x5d: {  	[dreg:$0xc] =	wrdreg s9;
	s0 =	sor.u32 s4, s0;
	[sflag:s3] =	ssyncadd.s32 @!p0 $0xFFFFC000  }
0x5e: {  	s10 =	sshll.u32 s15, $0x2;
	s11 =	sand.u32 $0x3FFFFFFC, s18;
	s0 =	sshrl.u32 s0, $0x2;
	v4 =	vld [tilespmem:s12+$0x0]  }
0x5f: {  	s7 =	sand.u32 $0xC000, s5;
	s5 =	sand.u32 $0xFFFFFE00, s10;
	s0 =	sadd.s32 $0x1483, s0;
	v5 =	vld [tilespmem:s12+$0xFFFFFFA0]  }
0x60: {  	s10 =	sadd.s32 $0x1480, s11;
	s11 =	sshll.u32 s29, $0xE;
	[dreg:$0xd] =	wrdreg s0  }
0x61: {  	s30 =	sor.u32 $0x28F0, s7;
	s1 =	sor.u32 $0x2870, s7;
	s4 =	sor.u32 s4, s5;
	v6 =	vld [tilespmem:s12+$0xFFFFFFB0]  }
0x62: {  	s31 =	sor.u32 $0x25F0, s7;
	s8 =	sshrl.u32 s4, $0x2;
	s4 =	sor.u32 $0x2540, s7;
	v1 =	vld [tilespmem:s12+$0xFFFFFFC0]  }
0x63: {  	s11 =	sand.u32 $0xC000, s11;
	s6 =	sor.u32 $0x2770, s7;
	s9 =	sor.u32 $0x26F0, s7;
	v2 =	vld [tilespmem:s12+$0xFFFFFFD0];
	[tilespmem:s4+$0x30] =	vst v4  }
0x64: {  	s5 =	sor.u32 $0x2670, s7;
	s3 =	sor.u32 $0x27F0, s7;
	s7 =	sor.u32 $0x2500, s11;
	v3 =	vld [tilespmem:s12+$0xFFFFFFE0];
	[tilespmem:s4+$0xFFFFFFD0] =	vst v5  }
0x65: {  	s0 =	sadd.s32 $0x1485, s8;
	s8 =	sand.u32 $0x3FFFFFFE, s13;
	v4 =	vld [tilespmem:s12+$0xFFFFFFF0];
	[dreg:$0xa] =	wrdreg s7  }
0x66: {  	s11 =	sadd.s32 $0x80, s12;
	s8 =	sadd.s32 $0x1480, s8;
	s7 =	simm.s32 $0x0;
	v5 =	vld [tilespmem:s12+$0xFFFFFF90];
	[tilespmem:s4+$0xFFFFFFE0] =	vst v6  }
.LBB2_5:
0x67: {  	v6 =	vld [tilespmem:s11+$0x0];
	s7 =	sadd.s32 $0x80, s7;
	[tilespmem:s4+$0xFFFFFFF0] =	vst v1  }
0x68: {  	v7 =	vld [tilespmem:s11+$0xFFFFFFA0];
	p0 =	slt.u32 s7, $0x780;
	[tilespmem:s4+$0x0] =	vst v2  }
0x69: {  	v8 =	vld [tilespmem:s11+$0xFFFFFFB0];
	[tilespmem:s4+$0x10] =	vst v3  }
.Ltmp1:
0x6a: {  	v1 =	vld [tilespmem:s11+$0xFFFFFFC0];
	[tilespmem:s4+$0x20] =	vst v4;
	(pc) =	sbr.rel @p0 .LBB2_5-.Ltmp1, $4  }
0x6b: {  	v2 =	vld [tilespmem:s11+$0xFFFFFFD0];
	[tilespmem:s4+$0xFFFFFFC0] =	vst v5;
	s4 =	sadd.s32 $0x400, s4  }
0x6c: {  	v3 =	vld [tilespmem:s11+$0xFFFFFFE0];
	[tilespmem:s4+$0x30] =	vst v6  }
0x6d: {  	[tilespmem:s4+$0xFFFFFFD0] =	vst v7;
	v4 =	vld [tilespmem:s11+$0xFFFFFFF0]  }
0x6e: {  	v5 =	vld [tilespmem:s11+$0xFFFFFF90];
	[tilespmem:s4+$0xFFFFFFE0] =	vst v8;
	s11 =	sadd.s32 $0x80, s11  }
0x6f: {  	[tilespmem:s4+$0xFFFFFFF0] =	vst v1  }
0x70: {  	[tilespmem:s4+$0x0] =	vst v2  }
0x71: {  	[tilespmem:s4+$0x10] =	vst v3  }
0x72: {  	[tilespmem:s4+$0x20] =	vst v4  }
0x73: {  	[tilespmem:s4+$0xFFFFFFC0] =	vst v5  }
0x74: {  	v6 =	vld [tilespmem:s8+$0x0]  }
0x75: {  	v7 =	vld [tilespmem:s14+$0x0]  }
0x76: {  	v5 =	vld [tilespmem:s14+$0xFFFFFFA0]  }
0x77: {  	v3 =	vld [tilespmem:s14+$0xFFFFFFB0]  }
0x78: {  	v1 =	vld [tilespmem:s14+$0xFFFFFFC0]  }
0x79: {  	v2 =	vld [tilespmem:s14+$0xFFFFFFD0]  }
0x7a: {  	v4 =	vld [tilespmem:s14+$0xFFFFFFE0];
	[tilespmem:s31+$0x0] =	vst v7  }
0x7b: {  	s7 =	sadd.s32 $0x80, s8;
	s4 =	simm.s32 $0x0;
	s8 =	smov.u32 s14;
	[tilespmem:s31+$0xFFFFFF90] =	vst v6;
	v6 =	vld [tilespmem:s14+$0xFFFFFFF0]  }
.LBB2_7:
0x7c: {  	v7 =	vld [tilespmem:s7+$0x0];
	[tilespmem:s31+$0xFFFFFFA0] =	vst v5;
	s8 =	sadd.s32 $0x80, s8  }
0x7d: {  	s4 =	sadd.s32 $0x80, s4;
	v8 =	vld [tilespmem:s8+$0x0];
	[tilespmem:s31+$0xFFFFFFB0] =	vst v3  }
0x7e: {  	p0 =	slt.u32 s4, $0x780;
	v5 =	vld [tilespmem:s8+$0xFFFFFFA0];
	[tilespmem:s31+$0xFFFFFFC0] =	vst v1  }
.Ltmp2:
0x7f: {  	v3 =	vld [tilespmem:s8+$0xFFFFFFB0];
	[tilespmem:s31+$0xFFFFFFD0] =	vst v2;
	(pc) =	sbr.rel @p0 .LBB2_7-.Ltmp2, $4  }
0x80: {  	v1 =	vld [tilespmem:s8+$0xFFFFFFC0];
	[tilespmem:s31+$0xFFFFFFE0] =	vst v4  }
0x81: {  	v2 =	vld [tilespmem:s8+$0xFFFFFFD0];
	[tilespmem:s31+$0xFFFFFFF0] =	vst v6;
	s31 =	sadd.s32 $0x400, s31  }
0x82: {  	v4 =	vld [tilespmem:s8+$0xFFFFFFE0];
	[tilespmem:s31+$0x0] =	vst v8  }
0x83: {  	s7 =	sadd.s32 $0x80, s7;
	[tilespmem:s31+$0xFFFFFF90] =	vst v7;
	v6 =	vld [tilespmem:s8+$0xFFFFFFF0]  }
0x84: {  	[tilespmem:s31+$0xFFFFFFA0] =	vst v5  }
0x85: {  	[tilespmem:s31+$0xFFFFFFB0] =	vst v3  }
0x86: {  	[tilespmem:s31+$0xFFFFFFC0] =	vst v1  }
0x87: {  	[tilespmem:s31+$0xFFFFFFD0] =	vst v2  }
0x88: {  	[tilespmem:s31+$0xFFFFFFE0] =	vst v4  }
0x89: {  	[tilespmem:s31+$0xFFFFFFF0] =	vst v6  }
0x8a: {  	v6 =	vld [tilespmem:s0+$0x0]  }
0x8b: {  	v7 =	vld [tilespmem:s17+$0x0]  }
0x8c: {  	v5 =	vld [tilespmem:s17+$0xFFFFFFA0]  }
0x8d: {  	v3 =	vld [tilespmem:s17+$0xFFFFFFB0]  }
0x8e: {  	v1 =	vld [tilespmem:s17+$0xFFFFFFC0]  }
0x8f: {  	v2 =	vld [tilespmem:s17+$0xFFFFFFD0]  }
0x90: {  	v4 =	vld [tilespmem:s17+$0xFFFFFFE0];
	[tilespmem:s5+$0x0] =	vst v7  }
0x91: {  	s4 =	simm.s32 $0x0;
	s7 =	smov.u32 s17;
	s0 =	sadd.s32 $0x80, s0;
	[tilespmem:s5+$0xFFFFFF90] =	vst v6;
	v6 =	vld [tilespmem:s17+$0xFFFFFFF0]  }
.LBB2_9:
0x92: {  	v7 =	vld [tilespmem:s0+$0x0];
	[tilespmem:s5+$0xFFFFFFA0] =	vst v5;
	s7 =	sadd.s32 $0x80, s7  }
0x93: {  	s4 =	sadd.s32 $0x80, s4;
	v8 =	vld [tilespmem:s7+$0x0];
	[tilespmem:s5+$0xFFFFFFB0] =	vst v3  }
0x94: {  	p0 =	slt.u32 s4, $0x780;
	v5 =	vld [tilespmem:s7+$0xFFFFFFA0];
	[tilespmem:s5+$0xFFFFFFC0] =	vst v1  }
.Ltmp3:
0x95: {  	v3 =	vld [tilespmem:s7+$0xFFFFFFB0];
	[tilespmem:s5+$0xFFFFFFD0] =	vst v2;
	(pc) =	sbr.rel @p0 .LBB2_9-.Ltmp3, $4  }
0x96: {  	v1 =	vld [tilespmem:s7+$0xFFFFFFC0];
	[tilespmem:s5+$0xFFFFFFE0] =	vst v4  }
0x97: {  	v2 =	vld [tilespmem:s7+$0xFFFFFFD0];
	[tilespmem:s5+$0xFFFFFFF0] =	vst v6;
	s5 =	sadd.s32 $0x400, s5  }
0x98: {  	v4 =	vld [tilespmem:s7+$0xFFFFFFE0];
	[tilespmem:s5+$0x0] =	vst v8  }
0x99: {  	s0 =	sadd.s32 $0x80, s0;
	[tilespmem:s5+$0xFFFFFF90] =	vst v7;
	v6 =	vld [tilespmem:s7+$0xFFFFFFF0]  }
0x9a: {  	[tilespmem:s5+$0xFFFFFFA0] =	vst v5  }
0x9b: {  	[tilespmem:s5+$0xFFFFFFB0] =	vst v3  }
0x9c: {  	[tilespmem:s5+$0xFFFFFFC0] =	vst v1  }
0x9d: {  	[tilespmem:s5+$0xFFFFFFD0] =	vst v2  }
0x9e: {  	[tilespmem:s5+$0xFFFFFFE0] =	vst v4  }
0x9f: {  	[tilespmem:s5+$0xFFFFFFF0] =	vst v6  }
0xa0: {  	v6 =	vld [tilespmem:s10+$0x0]  }
0xa1: {  	v7 =	vld [tilespmem:s19+$0x0]  }
0xa2: {  	v5 =	vld [tilespmem:s19+$0xFFFFFFA0]  }
0xa3: {  	v3 =	vld [tilespmem:s19+$0xFFFFFFB0]  }
0xa4: {  	v1 =	vld [tilespmem:s19+$0xFFFFFFC0]  }
0xa5: {  	v2 =	vld [tilespmem:s19+$0xFFFFFFD0]  }
0xa6: {  	v4 =	vld [tilespmem:s19+$0xFFFFFFE0];
	[tilespmem:s9+$0x0] =	vst v7  }
0xa7: {  	s0 =	simm.s32 $0x0;
	s4 =	sadd.s32 $0x80, s10;
	s5 =	smov.u32 s19;
	[tilespmem:s9+$0xFFFFFF90] =	vst v6;
	v6 =	vld [tilespmem:s19+$0xFFFFFFF0]  }
.LBB2_11:
0xa8: {  	v7 =	vld [tilespmem:s4+$0x0];
	[tilespmem:s9+$0xFFFFFFA0] =	vst v5;
	s5 =	sadd.s32 $0x80, s5  }
0xa9: {  	s0 =	sadd.s32 $0x80, s0;
	v8 =	vld [tilespmem:s5+$0x0];
	[tilespmem:s9+$0xFFFFFFB0] =	vst v3  }
0xaa: {  	p0 =	slt.u32 s0, $0x780;
	v5 =	vld [tilespmem:s5+$0xFFFFFFA0];
	[tilespmem:s9+$0xFFFFFFC0] =	vst v1  }
.Ltmp4:
0xab: {  	v3 =	vld [tilespmem:s5+$0xFFFFFFB0];
	[tilespmem:s9+$0xFFFFFFD0] =	vst v2;
	(pc) =	sbr.rel @p0 .LBB2_11-.Ltmp4, $4  }
0xac: {  	v1 =	vld [tilespmem:s5+$0xFFFFFFC0];
	[tilespmem:s9+$0xFFFFFFE0] =	vst v4  }
0xad: {  	v2 =	vld [tilespmem:s5+$0xFFFFFFD0];
	[tilespmem:s9+$0xFFFFFFF0] =	vst v6;
	s9 =	sadd.s32 $0x400, s9  }
0xae: {  	v4 =	vld [tilespmem:s5+$0xFFFFFFE0];
	[tilespmem:s9+$0x0] =	vst v8  }
0xaf: {  	s4 =	sadd.s32 $0x80, s4;
	[tilespmem:s9+$0xFFFFFF90] =	vst v7;
	v6 =	vld [tilespmem:s5+$0xFFFFFFF0]  }
0xb0: {  	[tilespmem:s9+$0xFFFFFFA0] =	vst v5  }
0xb1: {  	[tilespmem:s9+$0xFFFFFFB0] =	vst v3  }
0xb2: {  	[tilespmem:s9+$0xFFFFFFC0] =	vst v1  }
0xb3: {  	[tilespmem:s9+$0xFFFFFFD0] =	vst v2  }
0xb4: {  	[tilespmem:s9+$0xFFFFFFE0] =	vst v4  }
0xb5: {  	[tilespmem:s9+$0xFFFFFFF0] =	vst v6  }
0xb6: {  	v7 =	vld [tilespmem:s21+$0x0]  }
0xb7: {  	s4 =	rddreg [dreg:$0xd];
	v5 =	vld [tilespmem:s21+$0xFFFFFFA0]  }
0xb8: {  	v6 =	vld [tilespmem:s4+$0x0]  }
0xb9: {  	v3 =	vld [tilespmem:s21+$0xFFFFFFB0]  }
0xba: {  	v1 =	vld [tilespmem:s21+$0xFFFFFFC0]  }
0xbb: {  	v2 =	vld [tilespmem:s21+$0xFFFFFFD0]  }
0xbc: {  	v4 =	vld [tilespmem:s21+$0xFFFFFFE0];
	[tilespmem:s6+$0x0] =	vst v7  }
0xbd: {  	s0 =	simm.s32 $0x0;
	s5 =	smov.u32 s21;
	s4 =	sadd.s32 $0x80, s4;
	[tilespmem:s6+$0xFFFFFF90] =	vst v6;
	v6 =	vld [tilespmem:s21+$0xFFFFFFF0]  }
.LBB2_13:
0xbe: {  	v7 =	vld [tilespmem:s4+$0x0];
	[tilespmem:s6+$0xFFFFFFA0] =	vst v5;
	s5 =	sadd.s32 $0x80, s5  }
0xbf: {  	s0 =	sadd.s32 $0x80, s0;
	v8 =	vld [tilespmem:s5+$0x0];
	[tilespmem:s6+$0xFFFFFFB0] =	vst v3  }
0xc0: {  	p0 =	slt.u32 s0, $0x780;
	v5 =	vld [tilespmem:s5+$0xFFFFFFA0];
	[tilespmem:s6+$0xFFFFFFC0] =	vst v1  }
.Ltmp5:
0xc1: {  	v3 =	vld [tilespmem:s5+$0xFFFFFFB0];
	[tilespmem:s6+$0xFFFFFFD0] =	vst v2;
	(pc) =	sbr.rel @p0 .LBB2_13-.Ltmp5, $4  }
0xc2: {  	v1 =	vld [tilespmem:s5+$0xFFFFFFC0];
	[tilespmem:s6+$0xFFFFFFE0] =	vst v4  }
0xc3: {  	v2 =	vld [tilespmem:s5+$0xFFFFFFD0];
	[tilespmem:s6+$0xFFFFFFF0] =	vst v6;
	s6 =	sadd.s32 $0x400, s6  }
0xc4: {  	v4 =	vld [tilespmem:s5+$0xFFFFFFE0];
	[tilespmem:s6+$0x0] =	vst v8  }
0xc5: {  	s4 =	sadd.s32 $0x80, s4;
	[tilespmem:s6+$0xFFFFFF90] =	vst v7;
	v6 =	vld [tilespmem:s5+$0xFFFFFFF0]  }
0xc6: {  	[tilespmem:s6+$0xFFFFFFA0] =	vst v5  }
0xc7: {  	[tilespmem:s6+$0xFFFFFFB0] =	vst v3  }
0xc8: {  	[tilespmem:s6+$0xFFFFFFC0] =	vst v1  }
0xc9: {  	[tilespmem:s6+$0xFFFFFFD0] =	vst v2  }
0xca: {  	[tilespmem:s6+$0xFFFFFFE0] =	vst v4  }
0xcb: {  	[tilespmem:s6+$0xFFFFFFF0] =	vst v6  }
0xcc: {  	v7 =	vld [tilespmem:s23+$0x0]  }
0xcd: {  	s4 =	rddreg [dreg:$0xc];
	v5 =	vld [tilespmem:s23+$0xFFFFFFA0]  }
0xce: {  	v6 =	vld [tilespmem:s4+$0x0]  }
0xcf: {  	v3 =	vld [tilespmem:s23+$0xFFFFFFB0]  }
0xd0: {  	v1 =	vld [tilespmem:s23+$0xFFFFFFC0]  }
0xd1: {  	v2 =	vld [tilespmem:s23+$0xFFFFFFD0]  }
0xd2: {  	v4 =	vld [tilespmem:s23+$0xFFFFFFE0];
	[tilespmem:s3+$0x0] =	vst v7  }
0xd3: {  	s0 =	simm.s32 $0x0;
	s5 =	smov.u32 s23;
	s4 =	sadd.s32 $0x80, s4;
	[tilespmem:s3+$0xFFFFFF90] =	vst v6;
	v6 =	vld [tilespmem:s23+$0xFFFFFFF0]  }
.LBB2_15:
0xd4: {  	v7 =	vld [tilespmem:s4+$0x0];
	[tilespmem:s3+$0xFFFFFFA0] =	vst v5;
	s5 =	sadd.s32 $0x80, s5  }
0xd5: {  	s0 =	sadd.s32 $0x80, s0;
	v8 =	vld [tilespmem:s5+$0x0];
	[tilespmem:s3+$0xFFFFFFB0] =	vst v3  }
0xd6: {  	p0 =	slt.u32 s0, $0x780;
	v5 =	vld [tilespmem:s5+$0xFFFFFFA0];
	[tilespmem:s3+$0xFFFFFFC0] =	vst v1  }
.Ltmp6:
0xd7: {  	v3 =	vld [tilespmem:s5+$0xFFFFFFB0];
	[tilespmem:s3+$0xFFFFFFD0] =	vst v2;
	(pc) =	sbr.rel @p0 .LBB2_15-.Ltmp6, $4  }
0xd8: {  	v1 =	vld [tilespmem:s5+$0xFFFFFFC0];
	[tilespmem:s3+$0xFFFFFFE0] =	vst v4  }
0xd9: {  	v2 =	vld [tilespmem:s5+$0xFFFFFFD0];
	[tilespmem:s3+$0xFFFFFFF0] =	vst v6;
	s3 =	sadd.s32 $0x400, s3  }
0xda: {  	v4 =	vld [tilespmem:s5+$0xFFFFFFE0];
	[tilespmem:s3+$0x0] =	vst v8  }
0xdb: {  	s4 =	sadd.s32 $0x80, s4;
	[tilespmem:s3+$0xFFFFFF90] =	vst v7;
	v6 =	vld [tilespmem:s5+$0xFFFFFFF0]  }
0xdc: {  	[tilespmem:s3+$0xFFFFFFA0] =	vst v5  }
0xdd: {  	[tilespmem:s3+$0xFFFFFFB0] =	vst v3  }
0xde: {  	[tilespmem:s3+$0xFFFFFFC0] =	vst v1  }
0xdf: {  	[tilespmem:s3+$0xFFFFFFD0] =	vst v2  }
0xe0: {  	[tilespmem:s3+$0xFFFFFFE0] =	vst v4  }
0xe1: {  	[tilespmem:s3+$0xFFFFFFF0] =	vst v6  }
0xe2: {  	v7 =	vld [tilespmem:s25+$0x0]  }
0xe3: {  	s3 =	rddreg [dreg:$0xb];
	v5 =	vld [tilespmem:s25+$0xFFFFFFA0]  }
0xe4: {  	v6 =	vld [tilespmem:s3+$0x0]  }
0xe5: {  	v3 =	vld [tilespmem:s25+$0xFFFFFFB0]  }
0xe6: {  	v1 =	vld [tilespmem:s25+$0xFFFFFFC0]  }
0xe7: {  	v2 =	vld [tilespmem:s25+$0xFFFFFFD0]  }
0xe8: {  	v4 =	vld [tilespmem:s25+$0xFFFFFFE0];
	[tilespmem:s1+$0x0] =	vst v7  }
0xe9: {  	s0 =	simm.s32 $0x0;
	s4 =	smov.u32 s25;
	s3 =	sadd.s32 $0x80, s3;
	[tilespmem:s1+$0xFFFFFF90] =	vst v6;
	v6 =	vld [tilespmem:s25+$0xFFFFFFF0]  }
.LBB2_17:
0xea: {  	v7 =	vld [tilespmem:s3+$0x0];
	[tilespmem:s1+$0xFFFFFFA0] =	vst v5;
	s4 =	sadd.s32 $0x80, s4  }
0xeb: {  	s0 =	sadd.s32 $0x80, s0;
	v8 =	vld [tilespmem:s4+$0x0];
	[tilespmem:s1+$0xFFFFFFB0] =	vst v3  }
0xec: {  	p0 =	slt.u32 s0, $0x780;
	v5 =	vld [tilespmem:s4+$0xFFFFFFA0];
	[tilespmem:s1+$0xFFFFFFC0] =	vst v1  }
.Ltmp7:
0xed: {  	v3 =	vld [tilespmem:s4+$0xFFFFFFB0];
	[tilespmem:s1+$0xFFFFFFD0] =	vst v2;
	(pc) =	sbr.rel @p0 .LBB2_17-.Ltmp7, $4  }
0xee: {  	v1 =	vld [tilespmem:s4+$0xFFFFFFC0];
	[tilespmem:s1+$0xFFFFFFE0] =	vst v4  }
0xef: {  	v2 =	vld [tilespmem:s4+$0xFFFFFFD0];
	[tilespmem:s1+$0xFFFFFFF0] =	vst v6;
	s1 =	sadd.s32 $0x400, s1  }
0xf0: {  	v4 =	vld [tilespmem:s4+$0xFFFFFFE0];
	[tilespmem:s1+$0x0] =	vst v8  }
0xf1: {  	s3 =	sadd.s32 $0x80, s3;
	[tilespmem:s1+$0xFFFFFF90] =	vst v7;
	v6 =	vld [tilespmem:s4+$0xFFFFFFF0]  }
0xf2: {  	[tilespmem:s1+$0xFFFFFFA0] =	vst v5  }
0xf3: {  	[tilespmem:s1+$0xFFFFFFB0] =	vst v3  }
0xf4: {  	[tilespmem:s1+$0xFFFFFFC0] =	vst v1  }
0xf5: {  	[tilespmem:s1+$0xFFFFFFD0] =	vst v2  }
0xf6: {  	[tilespmem:s1+$0xFFFFFFE0] =	vst v4  }
0xf7: {  	[tilespmem:s1+$0xFFFFFFF0] =	vst v6  }
0xf8: {  	s1 =	rddreg [dreg:$0x9];
	v7 =	vld [tilespmem:s28+$0x0]  }
0xf9: {  	v6 =	vld [tilespmem:s1+$0x0]  }
0xfa: {  	v5 =	vld [tilespmem:s28+$0xFFFFFFA0]  }
0xfb: {  	v3 =	vld [tilespmem:s28+$0xFFFFFFB0]  }
0xfc: {  	v1 =	vld [tilespmem:s28+$0xFFFFFFC0]  }
0xfd: {  	v2 =	vld [tilespmem:s28+$0xFFFFFFD0];
	[tilespmem:s30+$0x0] =	vst v7  }
0xfe: {  	s0 =	simm.s32 $0x0;
	v4 =	vld [tilespmem:s28+$0xFFFFFFE0];
	[tilespmem:s30+$0xFFFFFF90] =	vst v6  }
0xff: {  	s3 =	smov.u32 s28;
	s1 =	sadd.s32 $0x80, s1;
	v6 =	vld [tilespmem:s28+$0xFFFFFFF0];
	s5 =	rddreg [dreg:$0x8]  }
.LBB2_19:
0x100: {  	v7 =	vld [tilespmem:s1+$0x0];
	[tilespmem:s30+$0xFFFFFFA0] =	vst v5;
	s3 =	sadd.s32 $0x80, s3  }
0x101: {  	s0 =	sadd.s32 $0x80, s0;
	v8 =	vld [tilespmem:s3+$0x0];
	[tilespmem:s30+$0xFFFFFFB0] =	vst v3  }
0x102: {  	p0 =	slt.u32 s0, $0x780;
	v5 =	vld [tilespmem:s3+$0xFFFFFFA0];
	[tilespmem:s30+$0xFFFFFFC0] =	vst v1  }
.Ltmp8:
0x103: {  	v3 =	vld [tilespmem:s3+$0xFFFFFFB0];
	[tilespmem:s30+$0xFFFFFFD0] =	vst v2;
	(pc) =	sbr.rel @p0 .LBB2_19-.Ltmp8, $4  }
0x104: {  	v1 =	vld [tilespmem:s3+$0xFFFFFFC0];
	[tilespmem:s30+$0xFFFFFFE0] =	vst v4  }
0x105: {  	v2 =	vld [tilespmem:s3+$0xFFFFFFD0];
	[tilespmem:s30+$0xFFFFFFF0] =	vst v6;
	s30 =	sadd.s32 $0x400, s30  }
0x106: {  	v4 =	vld [tilespmem:s3+$0xFFFFFFE0];
	[tilespmem:s30+$0x0] =	vst v8  }
0x107: {  	s1 =	sadd.s32 $0x80, s1;
	[tilespmem:s30+$0xFFFFFF90] =	vst v7;
	v6 =	vld [tilespmem:s3+$0xFFFFFFF0]  }
0x108: {  	[tilespmem:s30+$0xFFFFFFA0] =	vst v5;
	s0 =	sshll.u32 s29, $0xB;
	s29 =	sadd.s32 $0x1, s29;
	s12 =	sadd.s32 $0xFFFFFFF8, s12  }
0x109: {  	[tilespmem:s30+$0xFFFFFFB0] =	vst v3;
	s5 =	sadd.s32 $0x1, s5;
	s13 =	sadd.s32 $0xFFFFFFF8, s13;
	s14 =	sadd.s32 $0xFFFFFFF8, s14  }
0x10a: {  	s15 =	sadd.s32 $0xFFFFFFF8, s15;
	s16 =	sadd.s32 $0x78, s16;
	s17 =	sadd.s32 $0xFFFFFFF8, s17;
	[tilespmem:s30+$0xFFFFFFC0] =	vst v1  }
0x10b: {  	s18 =	sadd.s32 $0xFFFFFFF8, s18;
	s19 =	sadd.s32 $0xFFFFFFF8, s19;
	p0 =	sne.s32 s29, $0x100;
	[tilespmem:s30+$0xFFFFFFD0] =	vst v2  }
.Ltmp9:
0x10c: {  	s20 =	sadd.s32 $0xFFFFFFF8, s20;
	s21 =	sadd.s32 $0xFFFFFFF8, s21;
	[tilespmem:s30+$0xFFFFFFE0] =	vst v4;
	(pc) =	sbr.rel @p0 .LBB2_4-.Ltmp9, $4  }
0x10d: {  	s22 =	sadd.s32 $0xFFFFFFF8, s22;
	s23 =	sadd.s32 $0xFFFFFFF8, s23;
	s24 =	sadd.s32 $0xFFFFFFF8, s24;
	[tilespmem:s30+$0xFFFFFFF0] =	vst v6  }
0x10e: {  	s25 =	sadd.s32 $0xFFFFFFF8, s25;
	s26 =	sadd.s32 $0xFFFFFFF8, s26;
	s1 =	rddreg [dreg:$0x5]  }
0x10f: {  	s28 =	sadd.s32 $0xFFFFFFF8, s28;
	s31 =	rddreg [dreg:$0xa];
	s0 =	sadd.s32 s0, s1  }
0x110: {  	[hbm4b:s0+s2] =	stream.linear.scatter [tilespmem:s31], [sflag:$0x1], $0x4000, $0x38;
	[tilespmem:$0x12500] =	vst v63  }
0x111: {  	s1 =	simm.s32 $0x1  }
0x112: {  	_ =	swait.ge [sflag:s1], $0x4000  }
0x113: {  	[sflag:s1] =	ssyncset.done $0x0  }
0x114: {  	[sflag:s1] =	ssyncadd.s32 $0xFFFFC000  }
0x115: {  	_ =	swait.ge [sflag:s1], $0x4000  }
0x116: {  	[sflag:s1] =	ssyncset.done $0x0  }
0x117: {  	[sflag:s1] =	ssyncadd.s32 $0xFFFFC000  }
0x118: {  	_ =	swait.ge [sflag:s1], $0x4000  }
0x119: {  	[sflag:s1] =	ssyncset.done $0x0  }
0x11a: {  	[sflag:s1] =	ssyncadd.s32 $0xFFFFC000  }
0x11b: {  	_ =	swait.ge [sflag:s1], $0x4000  }
0x11c: {  	s3 =	rddreg [dreg:$0x7]  }
0x11d: {  	s0 =	rddreg [dreg:$0x6];
	s3 =	sadd.s32 $0x1, s3  }
0x11e: {  	p0 =	sne.s32 s3, s0  }
.Ltmp10:
0x11f: {  	_ = 	snop;
	(pc) =	sbr.rel @p0 .LBB2_1-.Ltmp10, $3  }
0x120: {  	_ =	sdelay $0x1  }
0x121: {  	[sflag:s1] =	ssyncset.done $0x0  }
0x122: {  	[sflag:s1] =	ssyncadd.s32 $0xFFFFC000  }
0x123: {  	_ =	sfence.sel $0x180000  }
0x124: {  	[bflag:$0x0] =	sbarrier.arrive $0xFFFF  }
0x125: {  	_ =	strace $0x90000047  }
0x126: {  	s0 =	stileid.u32;
	[bflag:$0x2] =	sbarrier.arrive $0xFFFF  }
0x127: {  	p0 =	sne.s32 s0, $0x0;
	s0 =	rddreg [dreg:$0x2]  }
0x128: {  	s0 =	sadd.s32 @!p0 $0x100000, s0  }
0x129: {  	[sflag:s0] =	ssyncadd.tile.s32 @!p0 $0x1;
	_ =	shalt  }
.Lfunc_end2:
_tile_overlayer_lowered:
.L_overlay_start_2:
0x12a: {  	(tag) =	ssettag $0x2  }
0x12b: {  	s0 =	rddreg [dreg:$0x0];
	s2 =	stileid.u32  }
0x12c: {  	s1 =	rddreg [dreg:$0x1];
	p0 =	sne.s32 s2, $0x0  }
0x12d: {  	s3 =	rddreg [dreg:$0x2];
	[bflag:$0x3] =	sbarrier.arrive $0xFFFF;
	s2 =	simm.s32 @!p0 $0x1C02  }
0x12e: {  	[timem:s3], [sflag:s2] =	dma.local @!p0 [hbm:s0], s1  }
0x12f: {  	s0 =	simm.s32 @!p0 $0x2  }
0x130: {  	_ =	swait.ge @!p0 [sflag:s0], s1  }
0x131: {  	s1 =	ssub.s32 @!p0 $0x0, s1;
	[sflag:s0] =	ssyncset.done @!p0 $0x0  }
0x132: {  	[sflag:s0] =	ssyncadd.s32 @!p0 s1  }
0x133: {  	[bflag:$0x3] =	sbarrier.arrive $0xFFFF  }
0x134: {  	_ =	shalt  }

</sc_bundles>
